<compile_context>
chip_gen: v7x
topology: tpu7x:2x2x1
jax: 0.10.2.dev20260603
libtpu: 0.0.44.dev20260713+nightly
codegen_flags: <defaults>
</compile_context>

<pallas_src>
import jax
import jax.numpy as jnp
from jax.experimental import pallas as pl
from jax.experimental.pallas import tpu as pltpu
from jax.experimental.pallas import tpu_sc as plsc

N = 4096
DEG = 32
K = 4
OBS = 33
HID = 64
OUT = 32
HEADS = 4
DH = OUT // HEADS



def _prelude_body(ht_ref, w1t_ref, b1_ref, w2t_ref, b2_ref, lng_ref, lnb_ref,
                  wiht_ref, bih_ref, bhh_ref, wgt_ref,
                  asm_ref, adm_ref,
                  xw_ref, as_ref, ad_ref):
    x = jnp.dot(ht_ref[...], w1t_ref[...], preferred_element_type=jnp.float32)
    x = jnp.maximum(x + b1_ref[...], 0.0)
    x = jnp.dot(x, w2t_ref[...], preferred_element_type=jnp.float32)
    x = jnp.maximum(x + b2_ref[...], 0.0)
    m = jnp.mean(x, axis=-1, keepdims=True)
    v = jnp.mean((x - m) ** 2, axis=-1, keepdims=True)
    e = (x - m) * jax.lax.rsqrt(v + 1e-5) * lng_ref[...] + lnb_ref[...]
    gi = jnp.dot(e, wiht_ref[...], preferred_element_type=jnp.float32) + bih_ref[...]
    bhh = bhh_ref[...]
    r = jax.nn.sigmoid(gi[:, 0:HID] + bhh[:, 0:HID])
    z = jax.nn.sigmoid(gi[:, HID:2 * HID] + bhh[:, HID:2 * HID])
    n = jnp.tanh(gi[:, 2 * HID:3 * HID] + r * bhh[:, 2 * HID:3 * HID])
    h = (1.0 - z) * n
    xw = jnp.dot(h, wgt_ref[...], preferred_element_type=jnp.float32)
    xw_ref[...] = xw
    as_ref[...] = jnp.dot(xw, asm_ref[...], preferred_element_type=jnp.float32)
    ad_ref[...] = jnp.dot(xw, adm_ref[...], preferred_element_type=jnp.float32)


def _prelude(ht, w1t, b1, w2t, b2, lng, lnb, wiht, bih, bhh, wgt, asm, adm):
    outs = [
        jax.ShapeDtypeStruct((N, OUT), jnp.float32),
        jax.ShapeDtypeStruct((N, HEADS), jnp.float32),
        jax.ShapeDtypeStruct((N, HEADS), jnp.float32),
    ]
    return pl.pallas_call(_prelude_body, out_shape=outs)(
        ht, w1t, b1, w2t, b2, lng, lnb, wiht, bih, bhh, wgt, asm, adm)



E = N * DEG
_NW = 32
_BPW = E // _NW
_GC = 1024


def _sc_gather_body(h_hbm, idx_hbm, out_hbm, idx_v, rows_v, sem):
    wid = jax.lax.axis_index("s") * 2 + jax.lax.axis_index("c")
    base = wid * _BPW
    pltpu.sync_copy(idx_hbm.at[pl.ds(base, _BPW)], idx_v)

    def body(i, carry):
        off = i * _GC
        pltpu.async_copy(h_hbm.at[idx_v.at[pl.ds(off, _GC)]], rows_v,
                         sem).wait()
        pltpu.sync_copy(rows_v, out_hbm.at[pl.ds(base + off, _GC)])
        return carry

    jax.lax.fori_loop(0, _BPW // _GC, body, 0)


def _sc_gather(h, idx):
    mesh = plsc.VectorSubcoreMesh(core_axis_name="c", subcore_axis_name="s")
    return pl.kernel(
        _sc_gather_body,
        compiler_params=pltpu.CompilerParams(use_tc_tiling_on_sc=False),
        out_type=jax.ShapeDtypeStruct((E, HID), jnp.float32),
        scratch_types=[
            pltpu.VMEM((_BPW,), jnp.int32),
            pltpu.VMEM((_GC, HID), jnp.float32),
            pltpu.SemaphoreType.DMA,
        ],
        mesh=mesh,
    )(h, idx)



E2 = N * K
_EB = 1024
_DB = 512


def _logits_body(edst_ref, asx_ref, ad_ref, logit_ref):
    c = edst_ref[...]
    colid = jax.lax.broadcasted_iota(jnp.int32, (_EB, N), 1)
    maskf = (colid == c).astype(jnp.float32)
    ad_e = jnp.dot(maskf, ad_ref[...], preferred_element_type=jnp.float32)
    x = asx_ref[...] + ad_e
    logit_ref[...] = jnp.where(x >= 0.0, x, 0.2 * x)


def _ex_body(logit_ref, w2_ref, xwx_ref, exp8_ref, ex_ref, msg0_ref):
    logit = logit_ref[...]
    m = jnp.max(logit)
    ex = jnp.exp(logit - m)
    ex_ref[...] = ex
    exw = ex * w2_ref[...]
    msg0_ref[...] = jnp.dot(exw, exp8_ref[...],
                            preferred_element_type=jnp.float32) * xwx_ref[...]


def _den_body(edstr_ref, ex_ref, msg0_ref, exp8_ref, bias_ref,
              den_ref, out_ref):
    i = pl.program_id(0)
    rowid = jax.lax.broadcasted_iota(jnp.int32, (_DB, E2), 0) + i * _DB
    maskf = (rowid == edstr_ref[...]).astype(jnp.float32)
    den = jnp.dot(maskf, ex_ref[...], preferred_element_type=jnp.float32)
    den_ref[...] = den
    numer = jnp.dot(maskf, msg0_ref[...], preferred_element_type=jnp.float32)
    den_e = jnp.dot(den, exp8_ref[...], preferred_element_type=jnp.float32)
    out_ref[...] = numer / (den_e + 1e-16) + bias_ref[...]


def _alpha_body(edst_ref, ex_ref, w2_ref, den_ref, anorm_ref):
    c = edst_ref[...]
    colid = jax.lax.broadcasted_iota(jnp.int32, (_EB, N), 1)
    maskf = (colid == c).astype(jnp.float32)
    dg = jnp.dot(maskf, den_ref[...], preferred_element_type=jnp.float32)
    alpha = ex_ref[...] / (dg + 1e-16) * w2_ref[...]
    er = jax.lax.broadcasted_iota(jnp.int32, (_EB, _EB), 0) // K
    ec = jax.lax.broadcasted_iota(jnp.int32, (_EB, _EB), 1) // K
    nodemask = (er == ec).astype(jnp.float32)
    rs_e = jnp.dot(nodemask, alpha, preferred_element_type=jnp.float32)
    anorm_ref[...] = alpha / jnp.maximum(rs_e, 1e-9)


def _mid_stage(e_dst, w, a_sx, a_d, xwx, bias_g):
    edst2 = e_dst.reshape(E2, 1)
    edstr = e_dst.reshape(1, E2)
    w2 = w.reshape(E2, 1)
    exp8 = jnp.repeat(jnp.eye(HEADS, dtype=jnp.float32), DH, axis=1)

    logits = pl.pallas_call(
        _logits_body,
        grid=(E2 // _EB,),
        in_specs=[
            pl.BlockSpec((_EB, 1), lambda i: (i, 0)),
            pl.BlockSpec((_EB, HEADS), lambda i: (i, 0)),
            pl.BlockSpec((N, HEADS), lambda i: (0, 0)),
        ],
        out_specs=pl.BlockSpec((_EB, HEADS), lambda i: (i, 0)),
        out_shape=jax.ShapeDtypeStruct((E2, HEADS), jnp.float32),
    )(edst2, a_sx, a_d)

    ex, msg0 = pl.pallas_call(
        _ex_body,
        out_shape=[
            jax.ShapeDtypeStruct((E2, HEADS), jnp.float32),
            jax.ShapeDtypeStruct((E2, OUT), jnp.float32),
        ],
    )(logits, w2, xwx, exp8)

    den, out_b = pl.pallas_call(
        _den_body,
        grid=(N // _DB,),
        in_specs=[
            pl.BlockSpec((1, E2), lambda i: (0, 0)),
            pl.BlockSpec((E2, HEADS), lambda i: (0, 0)),
            pl.BlockSpec((E2, OUT), lambda i: (0, 0)),
            pl.BlockSpec((HEADS, OUT), lambda i: (0, 0)),
            pl.BlockSpec((1, OUT), lambda i: (0, 0)),
        ],
        out_specs=[
            pl.BlockSpec((_DB, HEADS), lambda i: (i, 0)),
            pl.BlockSpec((_DB, OUT), lambda i: (i, 0)),
        ],
        out_shape=[
            jax.ShapeDtypeStruct((N, HEADS), jnp.float32),
            jax.ShapeDtypeStruct((N, OUT), jnp.float32),
        ],
    )(edstr, ex, msg0, exp8, bias_g.reshape(1, OUT))

    anorm = pl.pallas_call(
        _alpha_body,
        grid=(E2 // _EB,),
        in_specs=[
            pl.BlockSpec((_EB, 1), lambda i: (i, 0)),
            pl.BlockSpec((_EB, HEADS), lambda i: (i, 0)),
            pl.BlockSpec((_EB, 1), lambda i: (i, 0)),
            pl.BlockSpec((N, HEADS), lambda i: (0, 0)),
        ],
        out_specs=pl.BlockSpec((_EB, HEADS), lambda i: (i, 0)),
        out_shape=jax.ShapeDtypeStruct((E2, HEADS), jnp.float32),
    )(edst2, ex, w2, den)

    return out_b, anorm



_RB = 128


def _abuild_body(dst_ref, val_ref, out_ref):
    colid = jax.lax.broadcasted_iota(jnp.int32, (_RB, N), 1)
    accs = [jnp.zeros((_RB, N), jnp.float32) for _ in range(HEADS)]
    for k in range(K):
        c = dst_ref[:, k:k + 1]
        mask = (colid == c).astype(jnp.float32)
        for h in range(HEADS):
            vv = val_ref[:, k * HEADS + h:k * HEADS + h + 1]
            accs[h] = accs[h] + mask * vv
    for h in range(HEADS):
        out_ref[h, :, :] = accs[h]


def _abuild(e_dst, vals):
    return pl.pallas_call(
        _abuild_body,
        grid=(N // _RB,),
        in_specs=[
            pl.BlockSpec((_RB, K), lambda i: (i, 0)),
            pl.BlockSpec((_RB, K * HEADS), lambda i: (i, 0)),
        ],
        out_specs=pl.BlockSpec((HEADS, _RB, N), lambda i: (0, i, 0)),
        out_shape=jax.ShapeDtypeStruct((HEADS, N, N), jnp.float32),
    )(e_dst, vals)




def _selection(H_t, src, dst, W1, b1, W2, b2, ln_g, ln_b, Wih, bih, bhh,
               Ws1, bs1, Ws2, bs2):
    x = jax.nn.relu(H_t @ W1.T + b1)
    x = jax.nn.relu(x @ W2.T + b2)
    m = x.mean(-1, keepdims=True)
    v = ((x - m) ** 2).mean(-1, keepdims=True)
    H_emb = (x - m) / jnp.sqrt(v + 1e-5) * ln_g + ln_b
    e_t = H_emb[0]
    gi = e_t @ Wih.T + bih
    i_r, i_z, i_n = jnp.split(gi, 3, axis=-1)
    h_r, h_z, h_n = jnp.split(jnp.broadcast_to(bhh, (N, 3 * HID)), 3, axis=-1)
    r = jax.nn.sigmoid(i_r + h_r)
    z = jax.nn.sigmoid(i_z + h_z)
    n = jnp.tanh(i_n + r * h_n)
    h = (1.0 - z) * n
    feat = jnp.concatenate([jnp.repeat(h, DEG, axis=0), _sc_gather(h, dst)],
                           axis=1)
    score = jax.nn.sigmoid(jax.nn.relu(feat @ Ws1.T + bs1) @ Ws2.T + bs2)[:, 0]
    score2d = score.reshape(N, DEG)
    dstm = dst.reshape(N, DEG)
    s = score2d
    jj = jnp.arange(DEG)[None, :]
    ws, ds = [], []
    for _ in range(K):
        m = jnp.max(s, axis=1, keepdims=True)
        first = (s == m).astype(jnp.int32)
        idx = jnp.argmax(first, axis=1)[:, None]
        ws.append(m)
        ds.append(jnp.take_along_axis(dstm, idx, axis=1))
        s = jnp.where(jj == idx, -jnp.inf, s)
    w = jnp.concatenate(ws, axis=1)
    e_dst = jnp.concatenate(ds, axis=1)
    return w, e_dst


def kernel(H_t, src, dst, W1, b1, W2, b2, ln_g, ln_b, Wih, bih, Whh, bhh,
           Ws1, bs1, Ws2, bs2, Wg, att_src, att_dst, bias_g):
    ht = H_t[0]
    asm = jnp.zeros((OUT, HEADS), jnp.float32)
    adm = jnp.zeros((OUT, HEADS), jnp.float32)
    hh = jnp.arange(OUT) // DH
    asm = asm.at[jnp.arange(OUT), hh].set(att_src.reshape(-1))
    adm = adm.at[jnp.arange(OUT), hh].set(att_dst.reshape(-1))

    xw, a_s, a_d = _prelude(
        ht, W1.T, b1[None], W2.T, b2[None], ln_g[None], ln_b[None],
        Wih.T, bih[None], bhh[None], Wg.T, asm, adm)

    w, e_dst = _selection(H_t, src, dst, W1, b1, W2, b2, ln_g, ln_b,
                          Wih, bih, bhh, Ws1, bs1, Ws2, bs2)

    a_sx = jnp.repeat(a_s, K, axis=0)
    xwx = jnp.repeat(xw, K, axis=0)
    out_b, anorm = _mid_stage(e_dst, w, a_sx, a_d, xwx, bias_g)
    A = _abuild(e_dst, anorm.reshape(N, K * HEADS))

    return out_b[None], A[None]

# --- scband reference (transcript-rebuilt; emitter-appended) ---
"""Pipeline reference for scband-dynamic-gnn-2482491097616 (READ-ONLY COPY).

The authoritative reference and input builder live on the scoring server;
editing this copy changes nothing except your own understanding.
"""

import jax, jax.numpy as jnp
import numpy as np

N = 4096; DEG = 32; E = N * DEG; K = 4
OBS = 33; HID = 64; OUT = 32; HEADS = 4; DH = OUT // HEADS; B = 1


def _init(key, shape, fan_in):
    return jax.random.normal(key, shape, jnp.float32) * (1.0 / np.sqrt(fan_in))


def setup_inputs(seed: int = 0) -> dict:
    key = jax.random.key(seed)
    ks = jax.random.split(key, 16)
    inp = {}
    inp["H_t"] = jax.random.normal(ks[0], (B, N, OBS), jnp.float32)
    # edge_candidates buffers: every node has exactly DEG candidate neighbours
    inp["src"] = jnp.repeat(jnp.arange(N, dtype=jnp.int32), DEG)
    inp["dst"] = jax.random.randint(ks[1], (E,), 0, N, dtype=jnp.int32)
    # ObsEmbedding params
    inp["W1"] = _init(ks[2], (32, OBS), OBS); inp["b1"] = jnp.zeros((32,), jnp.float32)
    inp["W2"] = _init(ks[3], (32, 32), 32); inp["b2"] = jnp.zeros((32,), jnp.float32)
    inp["ln_g"] = jnp.ones((32,), jnp.float32); inp["ln_b"] = jnp.zeros((32,), jnp.float32)
    # GRUCell params (torch layout: W_ih (3H,in), W_hh (3H,H))
    inp["Wih"] = _init(ks[4], (3 * HID, 32), 32); inp["bih"] = jnp.zeros((3 * HID,), jnp.float32)
    inp["Whh"] = _init(ks[5], (3 * HID, HID), HID); inp["bhh"] = jnp.zeros((3 * HID,), jnp.float32)
    # EdgeScorer MLP params
    inp["Ws1"] = _init(ks[6], (64, 2 * HID), 2 * HID); inp["bs1"] = jnp.zeros((64,), jnp.float32)
    inp["Ws2"] = _init(ks[7], (1, 64), 64); inp["bs2"] = jnp.zeros((1,), jnp.float32)
    # GATConv params
    inp["Wg"] = _init(ks[8], (HEADS * DH, HID), HID)
    inp["att_src"] = _init(ks[9], (HEADS, DH), DH)
    inp["att_dst"] = _init(ks[10], (HEADS, DH), DH)
    inp["bias_g"] = jnp.zeros((OUT,), jnp.float32)
    return inp


def _layernorm(x, g, b):
    m = x.mean(-1, keepdims=True)
    v = ((x - m) ** 2).mean(-1, keepdims=True)
    return (x - m) / jnp.sqrt(v + 1e-5) * g + b


def _forward(H_t, src, dst, W1, b1, W2, b2, ln_g, ln_b, Wih, bih, Whh, bhh,
             Ws1, bs1, Ws2, bs2, Wg, att_src, att_dst, bias_g):
    # ObsEmbedding
    x = jax.nn.relu(H_t @ W1.T + b1)
    x = jax.nn.relu(x @ W2.T + b2)
    H_emb = _layernorm(x, ln_g, ln_b)
    # NodeMemory hidden state (fresh episode, t=0 -> already detached zeros)
    h = jnp.zeros((N, HID), jnp.float32)
    outs = []
    attns = []
    for bidx in range(B):
        # GRUCell step (stateful across the batch loop, as in the torch module)
        e_t = H_emb[bidx]
        gi = e_t @ Wih.T + bih
        gh = h @ Whh.T + bhh
        i_r, i_z, i_n = jnp.split(gi, 3, axis=-1)
        h_r, h_z, h_n = jnp.split(gh, 3, axis=-1)
        r = jax.nn.sigmoid(i_r + h_r)
        z = jax.nn.sigmoid(i_z + h_z)
        n = jnp.tanh(i_n + r * h_n)
        h = (1.0 - z) * n + z * h
        # EdgeScorer: gather endpoint states, score every candidate edge
        feat = jnp.concatenate([h[src], h[dst]], axis=1)  # (E, 2*HID)
        score = jax.nn.sigmoid(jax.nn.relu(feat @ Ws1.T + bs1) @ Ws2.T + bs2)[:, 0]
        # scatter_topk: keep top-k per source node (src is block-contiguous, DEG per node)
        _, topi = jax.lax.top_k(score.reshape(N, DEG), K)
        keep = (jnp.arange(N, dtype=jnp.int32)[:, None] * DEG + topi.astype(jnp.int32)).reshape(-1)
        e_src = src[keep]
        e_dst = dst[keep]
        w = score[keep]
        # GATConv (eval mode, dropout=0), attention scaled by soft edge weight w
        xw = (h @ Wg.T).reshape(N, HEADS, DH)
        a_s = jnp.sum(xw * att_src[None], axis=-1)  # (N, HEADS)
        a_d = jnp.sum(xw * att_dst[None], axis=-1)
        logits = jax.nn.leaky_relu(a_s[e_src] + a_d[e_dst], 0.2)  # (Ek, HEADS)
        m = jax.ops.segment_max(logits, e_dst, num_segments=N)
        m = jnp.where(jnp.isfinite(m), m, 0.0)
        ex = jnp.exp(logits - m[e_dst])
        den = jax.ops.segment_sum(ex, e_dst, num_segments=N)
        alpha = ex / (den[e_dst] + 1e-16)
        alpha = alpha * w[:, None]
        msg = alpha[:, :, None] * xw[e_src]  # (Ek, HEADS, DH)
        out_b = jax.ops.segment_sum(msg, e_dst, num_segments=N).reshape(N, OUT) + bias_g
        # dense attention: scatter-add alpha into (HEADS, N, N), row-normalize
        A = jnp.zeros((HEADS, N, N), jnp.float32).at[:, e_src, e_dst].add(alpha.T)
        A = A / jnp.clip(A.sum(-1, keepdims=True), 1e-9, None)
        outs.append(out_b)
        attns.append(A)
    return jnp.stack(outs, 0), jnp.stack(attns, 0)


def reference(H_t, src, dst, W1, b1, W2, b2, ln_g, ln_b, Wih, bih, Whh, bhh,
              Ws1, bs1, Ws2, bs2, Wg, att_src, att_dst, bias_g):
    return _forward(H_t, src, dst, W1, b1, W2, b2, ln_g, ln_b, Wih, bih, Whh, bhh,
                    Ws1, bs1, Ws2, bs2, Wg, att_src, att_dst, bias_g)

if __name__ == "__main__":
    import jax
    _d = setup_inputs()
    print(jax.jit(kernel)(*tuple(_d.values())))

</pallas_src>

<mosaic_0001>
#map = affine_map<(d0, d1) -> (0, 0)>
#map1 = affine_map<(d0, d1) -> (0)>
module attributes {stable_mosaic.version = 14 : i64} {
  func.func @_sc_gather_body(%arg0: i32, %arg1: i32, %arg2: memref<4096x64xf32, #tpu.memory_space<hbm>>, %arg3: memref<131072xi32, #tpu.memory_space<hbm>>, %arg4: memref<131072x64xf32, #tpu.memory_space<hbm>>, %arg5: memref<4096xi32, #tpu.memory_space<vmem>>, %arg6: memref<1024x64xf32, #tpu.memory_space<vmem>>, %arg7: memref<!tpu.dma_semaphore, #tpu.memory_space<semaphore_mem>>) attributes {dimension_semantics = [#tpu.dimension_semantics<core_parallel>, #tpu.dimension_semantics<subcore_parallel>], iteration_bounds = array<i64: 2, 16>, scalar_prefetch = 0 : i64, scratch_operands = 3 : i64, tpu.core_type = #tpu.core_type<sc_vector_subcore>, window_params = [{transform_indices = #map}, {transform_indices = #map1}, {transform_indices = #map}]} {
    %mul3A = arith.constant 2 : i32
    %mul3A_0 = arith.muli %arg1, %mul3A : i32
    %add3A = arith.addi %mul3A_0, %arg0 : i32
    %mul3A_1 = arith.constant 4096 : i32
    %mul3A_2 = arith.muli %add3A, %mul3A_1 : i32
    "tpu.region"() ({
      %run_scoped3A = tpu.sem_alloc : memref<!tpu.dma_semaphore, #tpu.memory_space<semaphore_mem>>
      %dma_start3A = tpu.memref_slice %arg3[%mul3A_2] : memref<131072xi32, #tpu.memory_space<hbm>> -> memref<4096xi32, #tpu.memory_space<hbm>>
      %dma_start3A_8 = tpu.memref_slice %arg3[%mul3A_2] : memref<131072xi32, #tpu.memory_space<hbm>> -> memref<4096xi32, #tpu.memory_space<hbm>>
      tpu.enqueue_dma source(%dma_start3A_8 : memref<4096xi32, #tpu.memory_space<hbm>>) target(%arg5 : memref<4096xi32, #tpu.memory_space<vmem>>) target_semaphore(%run_scoped3A : memref<!tpu.dma_semaphore, #tpu.memory_space<semaphore_mem>>)
      %dma_wait3A = tpu.memref_slice %arg3[%mul3A_2] : memref<131072xi32, #tpu.memory_space<hbm>> -> memref<4096xi32, #tpu.memory_space<hbm>>
      %dma_wait3A_9 = tpu.memref_slice %arg3[%mul3A_2] : memref<131072xi32, #tpu.memory_space<hbm>> -> memref<4096xi32, #tpu.memory_space<hbm>>
      tpu.wait_dma2 semaphore(%run_scoped3A : memref<!tpu.dma_semaphore, #tpu.memory_space<semaphore_mem>>) src(%dma_wait3A_9 : memref<4096xi32, #tpu.memory_space<hbm>>) dst(%arg5 : memref<4096xi32, #tpu.memory_space<vmem>>)
      tpu.yield
    }) : () -> ()
    %scan3A = arith.constant 0 : i32
    %scan3A_3 = arith.constant 0 : i32
    %scan3A_4 = arith.constant 4 : i32
    %scan3A_5 = arith.addi %scan3A_3, %scan3A_4 : i32
    %scan3A_6 = arith.constant 1 : i32
    scf.for %scan3A_8 = %scan3A_3 to %scan3A_5 step %scan3A_6  : i32 {
      %mul3A_9 = arith.constant 1024 : i32
      %mul3A_10 = arith.muli %scan3A_8, %mul3A_9 : i32
      %dma_start3A = tpu.memref_slice %arg5[%mul3A_10] : memref<4096xi32, #tpu.memory_space<vmem>> -> memref<1024xi32, #tpu.memory_space<vmem>>
      %dma_start3A_11 = arith.constant 0 : i32
      %dma_start3A_12 = arith.constant 0 : i32
      %dma_start3A_13 = tpu.memref_slice %arg2[%dma_start3A_11, %dma_start3A_12] : memref<4096x64xf32, #tpu.memory_space<hbm>> -> memref<4096x64xf32, #tpu.memory_space<hbm>>
      tpu.enqueue_indirect_dma source(%dma_start3A_13 : memref<4096x64xf32, #tpu.memory_space<hbm>>) target(%arg6 : memref<1024x64xf32, #tpu.memory_space<vmem>>) offsets(%dma_start3A : memref<1024xi32, #tpu.memory_space<vmem>>) semaphore(%arg7 : memref<!tpu.dma_semaphore, #tpu.memory_space<semaphore_mem>>)
      %dma_wait3A = tpu.memref_slice %arg5[%mul3A_10] : memref<4096xi32, #tpu.memory_space<vmem>> -> memref<1024xi32, #tpu.memory_space<vmem>>
      %dma_wait3A_14 = arith.constant 0 : i32
      %dma_wait3A_15 = arith.constant 0 : i32
      %dma_wait3A_16 = tpu.memref_slice %arg2[%dma_wait3A_14, %dma_wait3A_15] : memref<4096x64xf32, #tpu.memory_space<hbm>> -> memref<4096x64xf32, #tpu.memory_space<hbm>>
      tpu.wait_indirect_dma semaphore(%arg7 : memref<!tpu.dma_semaphore, #tpu.memory_space<semaphore_mem>>) src(%dma_wait3A_16 : memref<4096x64xf32, #tpu.memory_space<hbm>>) dst(%arg6 : memref<1024x64xf32, #tpu.memory_space<vmem>>)
      %add3A_17 = arith.addi %mul3A_2, %mul3A_10 : i32
      "tpu.region"() ({
        %run_scoped3A = tpu.sem_alloc : memref<!tpu.dma_semaphore, #tpu.memory_space<semaphore_mem>>
        %dma_start3A_18 = arith.constant 0 : i32
        %dma_start3A_19 = tpu.memref_slice %arg4[%add3A_17, %dma_start3A_18] : memref<131072x64xf32, #tpu.memory_space<hbm>> -> memref<1024x64xf32, #tpu.memory_space<hbm>>
        %dma_start3A_20 = arith.constant 0 : i32
        %dma_start3A_21 = tpu.memref_slice %arg4[%add3A_17, %dma_start3A_20] : memref<131072x64xf32, #tpu.memory_space<hbm>> -> memref<1024x64xf32, #tpu.memory_space<hbm>>
        tpu.enqueue_dma source(%arg6 : memref<1024x64xf32, #tpu.memory_space<vmem>>) target(%dma_start3A_21 : memref<1024x64xf32, #tpu.memory_space<hbm>>) target_semaphore(%run_scoped3A : memref<!tpu.dma_semaphore, #tpu.memory_space<semaphore_mem>>)
        %dma_wait3A_22 = arith.constant 0 : i32
        %dma_wait3A_23 = tpu.memref_slice %arg4[%add3A_17, %dma_wait3A_22] : memref<131072x64xf32, #tpu.memory_space<hbm>> -> memref<1024x64xf32, #tpu.memory_space<hbm>>
        %dma_wait3A_24 = arith.constant 0 : i32
        %dma_wait3A_25 = tpu.memref_slice %arg4[%add3A_17, %dma_wait3A_24] : memref<131072x64xf32, #tpu.memory_space<hbm>> -> memref<1024x64xf32, #tpu.memory_space<hbm>>
        tpu.wait_dma2 semaphore(%run_scoped3A : memref<!tpu.dma_semaphore, #tpu.memory_space<semaphore_mem>>) src(%arg6 : memref<1024x64xf32, #tpu.memory_space<vmem>>) dst(%dma_wait3A_25 : memref<1024x64xf32, #tpu.memory_space<hbm>>)
        tpu.yield
      }) : () -> ()
    }
    %scan3A_7 = arith.constant 4 : i32
    return
  }
}

module attributes {stable_mosaic.version = 14 : i64} {
  func.func @_prelude_body(%arg0: memref<4096x33xf32, #tpu.memory_space<vmem>>, %arg1: memref<33x32xf32, #tpu.memory_space<vmem>>, %arg2: memref<1x32xf32, #tpu.memory_space<vmem>>, %arg3: memref<32x32xf32, #tpu.memory_space<vmem>>, %arg4: memref<1x32xf32, #tpu.memory_space<vmem>>, %arg5: memref<1x32xf32, #tpu.memory_space<vmem>>, %arg6: memref<1x32xf32, #tpu.memory_space<vmem>>, %arg7: memref<32x192xf32, #tpu.memory_space<vmem>>, %arg8: memref<1x192xf32, #tpu.memory_space<vmem>>, %arg9: memref<1x192xf32, #tpu.memory_space<vmem>>, %arg10: memref<64x32xf32, #tpu.memory_space<vmem>>, %arg11: memref<32x4xf32, #tpu.memory_space<vmem>>, %arg12: memref<32x4xf32, #tpu.memory_space<vmem>>, %arg13: memref<4096x32xf32, #tpu.memory_space<vmem>>, %arg14: memref<4096x4xf32, #tpu.memory_space<vmem>>, %arg15: memref<4096x4xf32, #tpu.memory_space<vmem>>) attributes {dimension_semantics = [], scalar_prefetch = 0 : i64, scratch_operands = 0 : i64, tpu.core_type = #tpu.core_type<tc>} {
    %get3A = arith.constant 0 : index
    %get3A_0 = arith.constant 0 : index
    %get3A_1 = vector.load %arg0[%get3A, %get3A_0] : memref<4096x33xf32, #tpu.memory_space<vmem>>, vector<4096x33xf32>
    %get3A_2 = arith.constant 0 : index
    %get3A_3 = arith.constant 0 : index
    %get3A_4 = vector.load %arg1[%get3A_2, %get3A_3] : memref<33x32xf32, #tpu.memory_space<vmem>>, vector<33x32xf32>
    %dot_general3A = arith.constant dense<0.000000e+00> : vector<4096x32xf32>
    %dot_general3A_5 = tpu.matmul %get3A_1, %get3A_4, %dot_general3A {dimension_numbers = #tpu.dot_dimension_numbers<[1], [0], [0], [1], [0, 0, 1, 1], [], []>, transpose_lhs_hint = false} : vector<4096x33xf32>, vector<33x32xf32>, vector<4096x32xf32> -> vector<4096x32xf32>
    %get3A_6 = arith.constant 0 : index
    %get3A_7 = arith.constant 0 : index
    %get3A_8 = vector.load %arg2[%get3A_6, %get3A_7] : memref<1x32xf32, #tpu.memory_space<vmem>>, vector<1x32xf32>
    %add3A = vector.broadcast %get3A_8 : vector<1x32xf32> to vector<4096x32xf32>
    %add3A_9 = arith.addf %dot_general3A_5, %add3A : vector<4096x32xf32>
    %max3A = arith.constant 0.000000e+00 : f32
    %max3A_10 = vector.broadcast %max3A : f32 to vector<4096x32xf32>
    %max3A_11 = arith.maximumf %add3A_9, %max3A_10 : vector<4096x32xf32>
    %get3A_12 = arith.constant 0 : index
    %get3A_13 = arith.constant 0 : index
    %get3A_14 = vector.load %arg3[%get3A_12, %get3A_13] : memref<32x32xf32, #tpu.memory_space<vmem>>, vector<32x32xf32>
    %dot_general3A_15 = arith.constant dense<0.000000e+00> : vector<4096x32xf32>
    %dot_general3A_16 = tpu.matmul %max3A_11, %get3A_14, %dot_general3A_15 {dimension_numbers = #tpu.dot_dimension_numbers<[1], [0], [0], [1], [0, 0, 1, 1], [], []>, transpose_lhs_hint = false} : vector<4096x32xf32>, vector<32x32xf32>, vector<4096x32xf32> -> vector<4096x32xf32>
    %get3A_17 = arith.constant 0 : index
    %get3A_18 = arith.constant 0 : index
    %get3A_19 = vector.load %arg4[%get3A_17, %get3A_18] : memref<1x32xf32, #tpu.memory_space<vmem>>, vector<1x32xf32>
    %add3A_20 = vector.broadcast %get3A_19 : vector<1x32xf32> to vector<4096x32xf32>
    %add3A_21 = arith.addf %dot_general3A_16, %add3A_20 : vector<4096x32xf32>
    %max3A_22 = arith.constant 0.000000e+00 : f32
    %max3A_23 = vector.broadcast %max3A_22 : f32 to vector<4096x32xf32>
    %max3A_24 = arith.maximumf %add3A_21, %max3A_23 : vector<4096x32xf32>
    %reduce_sum3A = arith.constant dense<0.000000e+00> : vector<4096xf32>
    %reduce_sum3A_25 = vector.multi_reduction <add>, %max3A_24, %reduce_sum3A [1] : vector<4096x32xf32> to vector<4096xf32>
    %broadcast_in_dim3A = vector.shape_cast %reduce_sum3A_25 : vector<4096xf32> to vector<4096x1xf32>
    %div3A = arith.constant 3.200000e+01 : f32
    %div3A_26 = vector.broadcast %div3A : f32 to vector<4096x1xf32>
    %div3A_27 = arith.divf %broadcast_in_dim3A, %div3A_26 : vector<4096x1xf32>
    %sub3A = vector.broadcast %div3A_27 : vector<4096x1xf32> to vector<4096x32xf32>
    %sub3A_28 = arith.subf %max3A_24, %sub3A : vector<4096x32xf32>
    %integer_pow3A = arith.mulf %sub3A_28, %sub3A_28 : vector<4096x32xf32>
    %reduce_sum3A_29 = arith.constant dense<0.000000e+00> : vector<4096xf32>
    %reduce_sum3A_30 = vector.multi_reduction <add>, %integer_pow3A, %reduce_sum3A_29 [1] : vector<4096x32xf32> to vector<4096xf32>
    %broadcast_in_dim3A_31 = vector.shape_cast %reduce_sum3A_30 : vector<4096xf32> to vector<4096x1xf32>
    %div3A_32 = arith.constant 3.200000e+01 : f32
    %div3A_33 = vector.broadcast %div3A_32 : f32 to vector<4096x1xf32>
    %div3A_34 = arith.divf %broadcast_in_dim3A_31, %div3A_33 : vector<4096x1xf32>
    %sub3A_35 = vector.broadcast %div3A_27 : vector<4096x1xf32> to vector<4096x32xf32>
    %sub3A_36 = arith.subf %max3A_24, %sub3A_35 : vector<4096x32xf32>
    %add3A_37 = arith.constant 9.99999974E-6 : f32
    %add3A_38 = vector.broadcast %add3A_37 : f32 to vector<4096x1xf32>
    %add3A_39 = arith.addf %div3A_34, %add3A_38 : vector<4096x1xf32>
    %rsqrt3A = math.rsqrt %add3A_39 : vector<4096x1xf32>
    %mul3A = vector.broadcast %rsqrt3A : vector<4096x1xf32> to vector<4096x32xf32>
    %mul3A_40 = arith.mulf %sub3A_36, %mul3A : vector<4096x32xf32>
    %get3A_41 = arith.constant 0 : index
    %get3A_42 = arith.constant 0 : index
    %get3A_43 = vector.load %arg5[%get3A_41, %get3A_42] : memref<1x32xf32, #tpu.memory_space<vmem>>, vector<1x32xf32>
    %mul3A_44 = vector.broadcast %get3A_43 : vector<1x32xf32> to vector<4096x32xf32>
    %mul3A_45 = arith.mulf %mul3A_40, %mul3A_44 : vector<4096x32xf32>
    %get3A_46 = arith.constant 0 : index
    %get3A_47 = arith.constant 0 : index
    %get3A_48 = vector.load %arg6[%get3A_46, %get3A_47] : memref<1x32xf32, #tpu.memory_space<vmem>>, vector<1x32xf32>
    %add3A_49 = vector.broadcast %get3A_48 : vector<1x32xf32> to vector<4096x32xf32>
    %add3A_50 = arith.addf %mul3A_45, %add3A_49 : vector<4096x32xf32>
    %get3A_51 = arith.constant 0 : index
    %get3A_52 = arith.constant 0 : index
    %get3A_53 = vector.load %arg7[%get3A_51, %get3A_52] : memref<32x192xf32, #tpu.memory_space<vmem>>, vector<32x192xf32>
    %dot_general3A_54 = arith.constant dense<0.000000e+00> : vector<4096x192xf32>
    %dot_general3A_55 = tpu.matmul %add3A_50, %get3A_53, %dot_general3A_54 {dimension_numbers = #tpu.dot_dimension_numbers<[1], [0], [0], [1], [0, 0, 1, 1], [], []>, transpose_lhs_hint = false} : vector<4096x32xf32>, vector<32x192xf32>, vector<4096x192xf32> -> vector<4096x192xf32>
    %get3A_56 = arith.constant 0 : index
    %get3A_57 = arith.constant 0 : index
    %get3A_58 = vector.load %arg8[%get3A_56, %get3A_57] : memref<1x192xf32, #tpu.memory_space<vmem>>, vector<1x192xf32>
    %add3A_59 = vector.broadcast %get3A_58 : vector<1x192xf32> to vector<4096x192xf32>
    %add3A_60 = arith.addf %dot_general3A_55, %add3A_59 : vector<4096x192xf32>
    %get3A_61 = arith.constant 0 : index
    %get3A_62 = arith.constant 0 : index
    %get3A_63 = vector.load %arg9[%get3A_61, %get3A_62] : memref<1x192xf32, #tpu.memory_space<vmem>>, vector<1x192xf32>
    %slice3A = vector.extract_strided_slice %add3A_60 {offsets = [0, 0], sizes = [4096, 64], strides = [1, 1]} : vector<4096x192xf32> to vector<4096x64xf32>
    %slice3A_64 = vector.extract_strided_slice %get3A_63 {offsets = [0, 0], sizes = [1, 64], strides = [1, 1]} : vector<1x192xf32> to vector<1x64xf32>
    %add3A_65 = vector.broadcast %slice3A_64 : vector<1x64xf32> to vector<4096x64xf32>
    %add3A_66 = arith.addf %slice3A, %add3A_65 : vector<4096x64xf32>
    %logistic3A = arith.negf %add3A_66 : vector<4096x64xf32>
    %logistic3A_67 = math.exp %logistic3A : vector<4096x64xf32>
    %logistic3A_68 = arith.constant 1.000000e+00 : f32
    %logistic3A_69 = vector.broadcast %logistic3A_68 : f32 to vector<4096x64xf32>
    %logistic3A_70 = arith.addf %logistic3A_69, %logistic3A_67 : vector<4096x64xf32>
    %logistic3A_71 = arith.divf %logistic3A_69, %logistic3A_70 : vector<4096x64xf32>
    %slice3A_72 = vector.extract_strided_slice %add3A_60 {offsets = [0, 64], sizes = [4096, 64], strides = [1, 1]} : vector<4096x192xf32> to vector<4096x64xf32>
    %slice3A_73 = vector.extract_strided_slice %get3A_63 {offsets = [0, 64], sizes = [1, 64], strides = [1, 1]} : vector<1x192xf32> to vector<1x64xf32>
    %add3A_74 = vector.broadcast %slice3A_73 : vector<1x64xf32> to vector<4096x64xf32>
    %add3A_75 = arith.addf %slice3A_72, %add3A_74 : vector<4096x64xf32>
    %logistic3A_76 = arith.negf %add3A_75 : vector<4096x64xf32>
    %logistic3A_77 = math.exp %logistic3A_76 : vector<4096x64xf32>
    %logistic3A_78 = arith.constant 1.000000e+00 : f32
    %logistic3A_79 = vector.broadcast %logistic3A_78 : f32 to vector<4096x64xf32>
    %logistic3A_80 = arith.addf %logistic3A_79, %logistic3A_77 : vector<4096x64xf32>
    %logistic3A_81 = arith.divf %logistic3A_79, %logistic3A_80 : vector<4096x64xf32>
    %slice3A_82 = vector.extract_strided_slice %add3A_60 {offsets = [0, 128], sizes = [4096, 64], strides = [1, 1]} : vector<4096x192xf32> to vector<4096x64xf32>
    %slice3A_83 = vector.extract_strided_slice %get3A_63 {offsets = [0, 128], sizes = [1, 64], strides = [1, 1]} : vector<1x192xf32> to vector<1x64xf32>
    %mul3A_84 = vector.broadcast %slice3A_83 : vector<1x64xf32> to vector<4096x64xf32>
    %mul3A_85 = arith.mulf %logistic3A_71, %mul3A_84 : vector<4096x64xf32>
    %add3A_86 = arith.addf %slice3A_82, %mul3A_85 : vector<4096x64xf32>
    %tanh3A = math.tanh %add3A_86 : vector<4096x64xf32>
    %sub3A_87 = arith.constant 1.000000e+00 : f32
    %sub3A_88 = vector.broadcast %sub3A_87 : f32 to vector<4096x64xf32>
    %sub3A_89 = arith.subf %sub3A_88, %logistic3A_81 : vector<4096x64xf32>
    %mul3A_90 = arith.mulf %sub3A_89, %tanh3A : vector<4096x64xf32>
    %get3A_91 = arith.constant 0 : index
    %get3A_92 = arith.constant 0 : index
    %get3A_93 = vector.load %arg10[%get3A_91, %get3A_92] : memref<64x32xf32, #tpu.memory_space<vmem>>, vector<64x32xf32>
    %dot_general3A_94 = arith.constant dense<0.000000e+00> : vector<4096x32xf32>
    %dot_general3A_95 = tpu.matmul %mul3A_90, %get3A_93, %dot_general3A_94 {dimension_numbers = #tpu.dot_dimension_numbers<[1], [0], [0], [1], [0, 0, 1, 1], [], []>, transpose_lhs_hint = false} : vector<4096x64xf32>, vector<64x32xf32>, vector<4096x32xf32> -> vector<4096x32xf32>
    %swap3A = arith.constant 0 : index
    %swap3A_96 = arith.constant 0 : index
    %swap3A_97 = vector.load %arg13[%swap3A, %swap3A_96] : memref<4096x32xf32, #tpu.memory_space<vmem>>, vector<4096x32xf32>
    tpu.vector_store %arg13[%swap3A, %swap3A_96], %dot_general3A_95 {strides = array<i32>} : memref<4096x32xf32, #tpu.memory_space<vmem>>, vector<4096x32xf32>,
    %get3A_98 = arith.constant 0 : index
    %get3A_99 = arith.constant 0 : index
    %get3A_100 = vector.load %arg11[%get3A_98, %get3A_99] : memref<32x4xf32, #tpu.memory_space<vmem>>, vector<32x4xf32>
    %dot_general3A_101 = arith.constant dense<0.000000e+00> : vector<4096x4xf32>
    %dot_general3A_102 = tpu.matmul %dot_general3A_95, %get3A_100, %dot_general3A_101 {dimension_numbers = #tpu.dot_dimension_numbers<[1], [0], [0], [1], [0, 0, 1, 1], [], []>, transpose_lhs_hint = false} : vector<4096x32xf32>, vector<32x4xf32>, vector<4096x4xf32> -> vector<4096x4xf32>
    %swap3A_103 = arith.constant 0 : index
    %swap3A_104 = arith.constant 0 : index
    %swap3A_105 = vector.load %arg14[%swap3A_103, %swap3A_104] : memref<4096x4xf32, #tpu.memory_space<vmem>>, vector<4096x4xf32>
    tpu.vector_store %arg14[%swap3A_103, %swap3A_104], %dot_general3A_102 {strides = array<i32>} : memref<4096x4xf32, #tpu.memory_space<vmem>>, vector<4096x4xf32>,
    %get3A_106 = arith.constant 0 : index
    %get3A_107 = arith.constant 0 : index
    %get3A_108 = vector.load %arg12[%get3A_106, %get3A_107] : memref<32x4xf32, #tpu.memory_space<vmem>>, vector<32x4xf32>
    %dot_general3A_109 = arith.constant dense<0.000000e+00> : vector<4096x4xf32>
    %dot_general3A_110 = tpu.matmul %dot_general3A_95, %get3A_108, %dot_general3A_109 {dimension_numbers = #tpu.dot_dimension_numbers<[1], [0], [0], [1], [0, 0, 1, 1], [], []>, transpose_lhs_hint = false} : vector<4096x32xf32>, vector<32x4xf32>, vector<4096x4xf32> -> vector<4096x4xf32>
    %swap3A_111 = arith.constant 0 : index
    %swap3A_112 = arith.constant 0 : index
    %swap3A_113 = vector.load %arg15[%swap3A_111, %swap3A_112] : memref<4096x4xf32, #tpu.memory_space<vmem>>, vector<4096x4xf32>
    tpu.vector_store %arg15[%swap3A_111, %swap3A_112], %dot_general3A_110 {strides = array<i32>} : memref<4096x4xf32, #tpu.memory_space<vmem>>, vector<4096x4xf32>,
    return
  }
}

module attributes {stable_mosaic.version = 14 : i64} {
  func.func @_logits_body(%arg0: i32, %arg1: memref<1024x1xi32, #tpu.memory_space<vmem>>, %arg2: memref<1024x4xf32, #tpu.memory_space<vmem>>, %arg3: memref<4096x4xf32, #tpu.memory_space<vmem>>, %arg4: memref<1024x4xf32, #tpu.memory_space<vmem>>) attributes {dimension_semantics = [#tpu.dimension_semantics<arbitrary>], iteration_bounds = array<i64: 16>, scalar_prefetch = 0 : i64, scratch_operands = 0 : i64, tpu.core_type = #tpu.core_type<tc>, window_params = [{transform_indices = @transform_0, window_bounds = array<i64: 1024, 1>}, {transform_indices = @transform_1, window_bounds = array<i64: 1024, 4>}, {pipeline_mode = #tpu.pipeline_mode<synchronous>, transform_indices = @transform_2, window_bounds = array<i64: 4096, 4>}, {transform_indices = @transform_3, window_bounds = array<i64: 1024, 4>}]} {
    %get3A = arith.constant 0 : index
    %get3A_0 = arith.constant 0 : index
    %get3A_1 = vector.load %arg1[%get3A, %get3A_0] : memref<1024x1xi32, #tpu.memory_space<vmem>>, vector<1024x1xi32>
    %iota3A = tpu.iota {dimensions = array<i32: 1>} : vector<1024x4096xi32>
    %eq3A = vector.broadcast %get3A_1 : vector<1024x1xi32> to vector<1024x4096xi32>
    %eq3A_2 = arith.cmpi eq, %iota3A, %eq3A : vector<1024x4096xi32>
    %convert_element_type3A = arith.extui %eq3A_2 : vector<1024x4096xi1> to vector<1024x4096xi32>
    %convert_element_type3A_3 = arith.sitofp %convert_element_type3A : vector<1024x4096xi32> to vector<1024x4096xf32>
    %get3A_4 = arith.constant 0 : index
    %get3A_5 = arith.constant 0 : index
    %get3A_6 = vector.load %arg3[%get3A_4, %get3A_5] : memref<4096x4xf32, #tpu.memory_space<vmem>>, vector<4096x4xf32>
    %dot_general3A = arith.constant dense<0.000000e+00> : vector<1024x4xf32>
    %dot_general3A_7 = tpu.matmul %convert_element_type3A_3, %get3A_6, %dot_general3A {dimension_numbers = #tpu.dot_dimension_numbers<[1], [0], [0], [1], [0, 0, 1, 1], [], []>, transpose_lhs_hint = false} : vector<1024x4096xf32>, vector<4096x4xf32>, vector<1024x4xf32> -> vector<1024x4xf32>
    %get3A_8 = arith.constant 0 : index
    %get3A_9 = arith.constant 0 : index
    %get3A_10 = vector.load %arg2[%get3A_8, %get3A_9] : memref<1024x4xf32, #tpu.memory_space<vmem>>, vector<1024x4xf32>
    %add3A = arith.addf %get3A_10, %dot_general3A_7 : vector<1024x4xf32>
    %ge3A = arith.constant 0.000000e+00 : f32
    %ge3A_11 = vector.broadcast %ge3A : f32 to vector<1024x4xf32>
    %ge3A_12 = arith.cmpf oge, %add3A, %ge3A_11 : vector<1024x4xf32>
    %mul3A = arith.constant 2.000000e-01 : f32
    %mul3A_13 = vector.broadcast %mul3A : f32 to vector<1024x4xf32>
    %mul3A_14 = arith.mulf %mul3A_13, %add3A : vector<1024x4xf32>
    %select_n3A = arith.select %ge3A_12, %add3A, %mul3A_14 : vector<1024x4xi1>, vector<1024x4xf32>
    %swap3A = arith.constant 0 : index
    %swap3A_15 = arith.constant 0 : index
    %swap3A_16 = vector.load %arg4[%swap3A, %swap3A_15] : memref<1024x4xf32, #tpu.memory_space<vmem>>, vector<1024x4xf32>
    tpu.vector_store %arg4[%swap3A, %swap3A_15], %select_n3A {strides = array<i32>} : memref<1024x4xf32, #tpu.memory_space<vmem>>, vector<1024x4xf32>,
    return
  }
  func.func @transform_0(%arg0: i32) -> (i32, i32) {
    %c0_i32 = arith.constant 0 : i32
    %c0_i32_0 = arith.constant 0 : i32
    return %arg0, %c0_i32 : i32, i32
  }
  func.func @transform_1(%arg0: i32) -> (i32, i32) {
    %c0_i32 = arith.constant 0 : i32
    %c0_i32_0 = arith.constant 0 : i32
    return %arg0, %c0_i32 : i32, i32
  }
  func.func @transform_2(%arg0: i32) -> (i32, i32) {
    %c0_i32 = arith.constant 0 : i32
    %c0_i32_0 = arith.constant 0 : i32
    %c0_i32_1 = arith.constant 0 : i32
    return %c0_i32, %c0_i32_0 : i32, i32
  }
  func.func @transform_3(%arg0: i32) -> (i32, i32) {
    %c0_i32 = arith.constant 0 : i32
    %c0_i32_0 = arith.constant 0 : i32
    return %arg0, %c0_i32 : i32, i32
  }
}

module attributes {stable_mosaic.version = 14 : i64} {
  func.func @_ex_body(%arg0: memref<16384x4xf32, #tpu.memory_space<vmem>>, %arg1: memref<16384x1xf32, #tpu.memory_space<vmem>>, %arg2: memref<16384x32xf32, #tpu.memory_space<vmem>>, %arg3: memref<4x32xf32, #tpu.memory_space<vmem>>, %arg4: memref<16384x4xf32, #tpu.memory_space<vmem>>, %arg5: memref<16384x32xf32, #tpu.memory_space<vmem>>) attributes {dimension_semantics = [], scalar_prefetch = 0 : i64, scratch_operands = 0 : i64, tpu.core_type = #tpu.core_type<tc>} {
    %get3A = arith.constant 0 : index
    %get3A_0 = arith.constant 0 : index
    %get3A_1 = vector.load %arg0[%get3A, %get3A_0] : memref<16384x4xf32, #tpu.memory_space<vmem>>, vector<16384x4xf32>
    %reduce_max3A = vector.shape_cast %get3A_1 : vector<16384x4xf32> to vector<1x16384x4xf32>
    %reduce_max3A_2 = arith.constant dense<0xFF800000> : vector<1xf32>
    %reduce_max3A_3 = vector.multi_reduction <maximumf>, %reduce_max3A, %reduce_max3A_2 [1, 2] : vector<1x16384x4xf32> to vector<1xf32>
    %reduce_max3A_4 = vector.shape_cast %reduce_max3A_3 : vector<1xf32> to vector<1x1x1xf32>
    %reduce_max3A_5 = vector.extract %reduce_max3A_4[0, 0, 0] : f32 from vector<1x1x1xf32>
    %sub3A = vector.broadcast %reduce_max3A_5 : f32 to vector<16384x4xf32>
    %sub3A_6 = arith.subf %get3A_1, %sub3A : vector<16384x4xf32>
    %exp3A = math.exp %sub3A_6 : vector<16384x4xf32>
    %swap3A = arith.constant 0 : index
    %swap3A_7 = arith.constant 0 : index
    %swap3A_8 = vector.load %arg4[%swap3A, %swap3A_7] : memref<16384x4xf32, #tpu.memory_space<vmem>>, vector<16384x4xf32>
    tpu.vector_store %arg4[%swap3A, %swap3A_7], %exp3A {strides = array<i32>} : memref<16384x4xf32, #tpu.memory_space<vmem>>, vector<16384x4xf32>,
    %get3A_9 = arith.constant 0 : index
    %get3A_10 = arith.constant 0 : index
    %get3A_11 = vector.load %arg1[%get3A_9, %get3A_10] : memref<16384x1xf32, #tpu.memory_space<vmem>>, vector<16384x1xf32>
    %mul3A = vector.broadcast %get3A_11 : vector<16384x1xf32> to vector<16384x4xf32>
    %mul3A_12 = arith.mulf %exp3A, %mul3A : vector<16384x4xf32>
    %get3A_13 = arith.constant 0 : index
    %get3A_14 = arith.constant 0 : index
    %get3A_15 = vector.load %arg3[%get3A_13, %get3A_14] : memref<4x32xf32, #tpu.memory_space<vmem>>, vector<4x32xf32>
    %dot_general3A = arith.constant dense<0.000000e+00> : vector<16384x32xf32>
    %dot_general3A_16 = tpu.matmul %mul3A_12, %get3A_15, %dot_general3A {dimension_numbers = #tpu.dot_dimension_numbers<[1], [0], [0], [1], [0, 0, 1, 1], [], []>, transpose_lhs_hint = false} : vector<16384x4xf32>, vector<4x32xf32>, vector<16384x32xf32> -> vector<16384x32xf32>
    %get3A_17 = arith.constant 0 : index
    %get3A_18 = arith.constant 0 : index
    %get3A_19 = vector.load %arg2[%get3A_17, %get3A_18] : memref<16384x32xf32, #tpu.memory_space<vmem>>, vector<16384x32xf32>
    %mul3A_20 = arith.mulf %dot_general3A_16, %get3A_19 : vector<16384x32xf32>
    %swap3A_21 = arith.constant 0 : index
    %swap3A_22 = arith.constant 0 : index
    %swap3A_23 = vector.load %arg5[%swap3A_21, %swap3A_22] : memref<16384x32xf32, #tpu.memory_space<vmem>>, vector<16384x32xf32>
    tpu.vector_store %arg5[%swap3A_21, %swap3A_22], %mul3A_20 {strides = array<i32>} : memref<16384x32xf32, #tpu.memory_space<vmem>>, vector<16384x32xf32>,
    return
  }
}

module attributes {stable_mosaic.version = 14 : i64} {
  func.func @_den_body(%arg0: i32, %arg1: memref<1x16384xi32, #tpu.memory_space<vmem>>, %arg2: memref<16384x4xf32, #tpu.memory_space<vmem>>, %arg3: memref<16384x32xf32, #tpu.memory_space<vmem>>, %arg4: memref<4x32xf32, #tpu.memory_space<vmem>>, %arg5: memref<1x32xf32, #tpu.memory_space<vmem>>, %arg6: memref<512x4xf32, #tpu.memory_space<vmem>>, %arg7: memref<512x32xf32, #tpu.memory_space<vmem>>) attributes {dimension_semantics = [#tpu.dimension_semantics<arbitrary>], iteration_bounds = array<i64: 8>, scalar_prefetch = 0 : i64, scratch_operands = 0 : i64, tpu.core_type = #tpu.core_type<tc>, window_params = [{pipeline_mode = #tpu.pipeline_mode<synchronous>, transform_indices = @transform_0, window_bounds = array<i64: 1, 16384>}, {pipeline_mode = #tpu.pipeline_mode<synchronous>, transform_indices = @transform_1, window_bounds = array<i64: 16384, 4>}, {pipeline_mode = #tpu.pipeline_mode<synchronous>, transform_indices = @transform_2, window_bounds = array<i64: 16384, 32>}, {pipeline_mode = #tpu.pipeline_mode<synchronous>, transform_indices = @transform_3, window_bounds = array<i64: 4, 32>}, {pipeline_mode = #tpu.pipeline_mode<synchronous>, transform_indices = @transform_4, window_bounds = array<i64: 1, 32>}, {transform_indices = @transform_5, window_bounds = array<i64: 512, 4>}, {transform_indices = @transform_6, window_bounds = array<i64: 512, 32>}]} {
    %iota3A = tpu.iota {dimensions = array<i32: 0>} : vector<512x16384xi32>
    %mul3A = arith.constant 512 : i32
    %mul3A_0 = arith.muli %arg0, %mul3A : i32
    %add3A = vector.broadcast %mul3A_0 : i32 to vector<512x16384xi32>
    %add3A_1 = arith.addi %iota3A, %add3A : vector<512x16384xi32>
    %get3A = arith.constant 0 : index
    %get3A_2 = arith.constant 0 : index
    %get3A_3 = vector.load %arg1[%get3A, %get3A_2] : memref<1x16384xi32, #tpu.memory_space<vmem>>, vector<1x16384xi32>
    %eq3A = vector.broadcast %get3A_3 : vector<1x16384xi32> to vector<512x16384xi32>
    %eq3A_4 = arith.cmpi eq, %add3A_1, %eq3A : vector<512x16384xi32>
    %convert_element_type3A = arith.extui %eq3A_4 : vector<512x16384xi1> to vector<512x16384xi32>
    %convert_element_type3A_5 = arith.sitofp %convert_element_type3A : vector<512x16384xi32> to vector<512x16384xf32>
    %get3A_6 = arith.constant 0 : index
    %get3A_7 = arith.constant 0 : index
    %get3A_8 = vector.load %arg2[%get3A_6, %get3A_7] : memref<16384x4xf32, #tpu.memory_space<vmem>>, vector<16384x4xf32>
    %dot_general3A = arith.constant dense<0.000000e+00> : vector<512x4xf32>
    %dot_general3A_9 = tpu.matmul %convert_element_type3A_5, %get3A_8, %dot_general3A {dimension_numbers = #tpu.dot_dimension_numbers<[1], [0], [0], [1], [0, 0, 1, 1], [], []>, transpose_lhs_hint = false} : vector<512x16384xf32>, vector<16384x4xf32>, vector<512x4xf32> -> vector<512x4xf32>
    %swap3A = arith.constant 0 : index
    %swap3A_10 = arith.constant 0 : index
    %swap3A_11 = vector.load %arg6[%swap3A, %swap3A_10] : memref<512x4xf32, #tpu.memory_space<vmem>>, vector<512x4xf32>
    tpu.vector_store %arg6[%swap3A, %swap3A_10], %dot_general3A_9 {strides = array<i32>} : memref<512x4xf32, #tpu.memory_space<vmem>>, vector<512x4xf32>,
    %get3A_12 = arith.constant 0 : index
    %get3A_13 = arith.constant 0 : index
    %get3A_14 = vector.load %arg3[%get3A_12, %get3A_13] : memref<16384x32xf32, #tpu.memory_space<vmem>>, vector<16384x32xf32>
    %dot_general3A_15 = arith.constant dense<0.000000e+00> : vector<512x32xf32>
    %dot_general3A_16 = tpu.matmul %convert_element_type3A_5, %get3A_14, %dot_general3A_15 {dimension_numbers = #tpu.dot_dimension_numbers<[1], [0], [0], [1], [0, 0, 1, 1], [], []>, transpose_lhs_hint = false} : vector<512x16384xf32>, vector<16384x32xf32>, vector<512x32xf32> -> vector<512x32xf32>
    %get3A_17 = arith.constant 0 : index
    %get3A_18 = arith.constant 0 : index
    %get3A_19 = vector.load %arg4[%get3A_17, %get3A_18] : memref<4x32xf32, #tpu.memory_space<vmem>>, vector<4x32xf32>
    %dot_general3A_20 = arith.constant dense<0.000000e+00> : vector<512x32xf32>
    %dot_general3A_21 = tpu.matmul %dot_general3A_9, %get3A_19, %dot_general3A_20 {dimension_numbers = #tpu.dot_dimension_numbers<[1], [0], [0], [1], [0, 0, 1, 1], [], []>, transpose_lhs_hint = false} : vector<512x4xf32>, vector<4x32xf32>, vector<512x32xf32> -> vector<512x32xf32>
    %add3A_22 = arith.constant 1.000000e-16 : f32
    %add3A_23 = vector.broadcast %add3A_22 : f32 to vector<512x32xf32>
    %add3A_24 = arith.addf %dot_general3A_21, %add3A_23 : vector<512x32xf32>
    %div3A = arith.divf %dot_general3A_16, %add3A_24 : vector<512x32xf32>
    %get3A_25 = arith.constant 0 : index
    %get3A_26 = arith.constant 0 : index
    %get3A_27 = vector.load %arg5[%get3A_25, %get3A_26] : memref<1x32xf32, #tpu.memory_space<vmem>>, vector<1x32xf32>
    %add3A_28 = vector.broadcast %get3A_27 : vector<1x32xf32> to vector<512x32xf32>
    %add3A_29 = arith.addf %div3A, %add3A_28 : vector<512x32xf32>
    %swap3A_30 = arith.constant 0 : index
    %swap3A_31 = arith.constant 0 : index
    %swap3A_32 = vector.load %arg7[%swap3A_30, %swap3A_31] : memref<512x32xf32, #tpu.memory_space<vmem>>, vector<512x32xf32>
    tpu.vector_store %arg7[%swap3A_30, %swap3A_31], %add3A_29 {strides = array<i32>} : memref<512x32xf32, #tpu.memory_space<vmem>>, vector<512x32xf32>,
    return
  }
  func.func @transform_0(%arg0: i32) -> (i32, i32) {
    %c0_i32 = arith.constant 0 : i32
    %c0_i32_0 = arith.constant 0 : i32
    %c0_i32_1 = arith.constant 0 : i32
    return %c0_i32, %c0_i32_0 : i32, i32
  }
  func.func @transform_1(%arg0: i32) -> (i32, i32) {
    %c0_i32 = arith.constant 0 : i32
    %c0_i32_0 = arith.constant 0 : i32
    %c0_i32_1 = arith.constant 0 : i32
    return %c0_i32, %c0_i32_0 : i32, i32
  }
  func.func @transform_2(%arg0: i32) -> (i32, i32) {
    %c0_i32 = arith.constant 0 : i32
    %c0_i32_0 = arith.constant 0 : i32
    %c0_i32_1 = arith.constant 0 : i32
    return %c0_i32, %c0_i32_0 : i32, i32
  }
  func.func @transform_3(%arg0: i32) -> (i32, i32) {
    %c0_i32 = arith.constant 0 : i32
    %c0_i32_0 = arith.constant 0 : i32
    %c0_i32_1 = arith.constant 0 : i32
    return %c0_i32, %c0_i32_0 : i32, i32
  }
  func.func @transform_4(%arg0: i32) -> (i32, i32) {
    %c0_i32 = arith.constant 0 : i32
    %c0_i32_0 = arith.constant 0 : i32
    %c0_i32_1 = arith.constant 0 : i32
    return %c0_i32, %c0_i32_0 : i32, i32
  }
  func.func @transform_5(%arg0: i32) -> (i32, i32) {
    %c0_i32 = arith.constant 0 : i32
    %c0_i32_0 = arith.constant 0 : i32
    return %arg0, %c0_i32 : i32, i32
  }
  func.func @transform_6(%arg0: i32) -> (i32, i32) {
    %c0_i32 = arith.constant 0 : i32
    %c0_i32_0 = arith.constant 0 : i32
    return %arg0, %c0_i32 : i32, i32
  }
}

module attributes {stable_mosaic.version = 14 : i64} {
  func.func @_alpha_body(%arg0: i32, %arg1: memref<1024x1xi32, #tpu.memory_space<vmem>>, %arg2: memref<1024x4xf32, #tpu.memory_space<vmem>>, %arg3: memref<1024x1xf32, #tpu.memory_space<vmem>>, %arg4: memref<4096x4xf32, #tpu.memory_space<vmem>>, %arg5: memref<1024x4xf32, #tpu.memory_space<vmem>>) attributes {dimension_semantics = [#tpu.dimension_semantics<arbitrary>], iteration_bounds = array<i64: 16>, scalar_prefetch = 0 : i64, scratch_operands = 0 : i64, tpu.core_type = #tpu.core_type<tc>, window_params = [{transform_indices = @transform_0, window_bounds = array<i64: 1024, 1>}, {transform_indices = @transform_1, window_bounds = array<i64: 1024, 4>}, {transform_indices = @transform_2, window_bounds = array<i64: 1024, 1>}, {pipeline_mode = #tpu.pipeline_mode<synchronous>, transform_indices = @transform_3, window_bounds = array<i64: 4096, 4>}, {transform_indices = @transform_4, window_bounds = array<i64: 1024, 4>}]} {
    %get3A = arith.constant 0 : index
    %get3A_0 = arith.constant 0 : index
    %get3A_1 = vector.load %arg1[%get3A, %get3A_0] : memref<1024x1xi32, #tpu.memory_space<vmem>>, vector<1024x1xi32>
    %iota3A = tpu.iota {dimensions = array<i32: 1>} : vector<1024x4096xi32>
    %eq3A = vector.broadcast %get3A_1 : vector<1024x1xi32> to vector<1024x4096xi32>
    %eq3A_2 = arith.cmpi eq, %iota3A, %eq3A : vector<1024x4096xi32>
    %convert_element_type3A = arith.extui %eq3A_2 : vector<1024x4096xi1> to vector<1024x4096xi32>
    %convert_element_type3A_3 = arith.sitofp %convert_element_type3A : vector<1024x4096xi32> to vector<1024x4096xf32>
    %get3A_4 = arith.constant 0 : index
    %get3A_5 = arith.constant 0 : index
    %get3A_6 = vector.load %arg4[%get3A_4, %get3A_5] : memref<4096x4xf32, #tpu.memory_space<vmem>>, vector<4096x4xf32>
    %dot_general3A = arith.constant dense<0.000000e+00> : vector<1024x4xf32>
    %dot_general3A_7 = tpu.matmul %convert_element_type3A_3, %get3A_6, %dot_general3A {dimension_numbers = #tpu.dot_dimension_numbers<[1], [0], [0], [1], [0, 0, 1, 1], [], []>, transpose_lhs_hint = false} : vector<1024x4096xf32>, vector<4096x4xf32>, vector<1024x4xf32> -> vector<1024x4xf32>
    %get3A_8 = arith.constant 0 : index
    %get3A_9 = arith.constant 0 : index
    %get3A_10 = vector.load %arg2[%get3A_8, %get3A_9] : memref<1024x4xf32, #tpu.memory_space<vmem>>, vector<1024x4xf32>
    %add3A = arith.constant 1.000000e-16 : f32
    %add3A_11 = vector.broadcast %add3A : f32 to vector<1024x4xf32>
    %add3A_12 = arith.addf %dot_general3A_7, %add3A_11 : vector<1024x4xf32>
    %div3A = arith.divf %get3A_10, %add3A_12 : vector<1024x4xf32>
    %get3A_13 = arith.constant 0 : index
    %get3A_14 = arith.constant 0 : index
    %get3A_15 = vector.load %arg3[%get3A_13, %get3A_14] : memref<1024x1xf32, #tpu.memory_space<vmem>>, vector<1024x1xf32>
    %mul3A = vector.broadcast %get3A_15 : vector<1024x1xf32> to vector<1024x4xf32>
    %mul3A_16 = arith.mulf %div3A, %mul3A : vector<1024x4xf32>
    %iota3A_17 = tpu.iota {dimensions = array<i32: 0>} : vector<1024x1024xi32>
    %jit3A = arith.constant 4 : i32
    %div3A_18 = vector.broadcast %jit3A : i32 to vector<1024x1024xi32>
    %div3A_19 = arith.divsi %iota3A_17, %div3A_18 : vector<1024x1024xi32>
    %sign3A = arith.constant 0 : i32
    %sign3A_20 = vector.broadcast %sign3A : i32 to vector<1024x1024xi32>
    %sign3A_21 = arith.cmpi sgt, %iota3A_17, %sign3A_20 : vector<1024x1024xi32>
    %sign3A_22 = arith.extui %sign3A_21 : vector<1024x1024xi1> to vector<1024x1024xi32>
    %sign3A_23 = arith.constant 0 : i32
    %sign3A_24 = vector.broadcast %sign3A_23 : i32 to vector<1024x1024xi32>
    %sign3A_25 = arith.cmpi slt, %iota3A_17, %sign3A_24 : vector<1024x1024xi32>
    %sign3A_26 = arith.extui %sign3A_25 : vector<1024x1024xi1> to vector<1024x1024xi32>
    %sign3A_27 = arith.subi %sign3A_22, %sign3A_26 : vector<1024x1024xi32>
    %sign3A_28 = arith.constant 0 : i32
    %sign3A_29 = arith.cmpi sgt, %jit3A, %sign3A_28 : i32
    %sign3A_30 = arith.extui %sign3A_29 : i1 to i32
    %sign3A_31 = arith.constant 0 : i32
    %sign3A_32 = arith.cmpi slt, %jit3A, %sign3A_31 : i32
    %sign3A_33 = arith.extui %sign3A_32 : i1 to i32
    %sign3A_34 = arith.subi %sign3A_30, %sign3A_33 : i32
    %ne3A = vector.broadcast %sign3A_34 : i32 to vector<1024x1024xi32>
    %ne3A_35 = arith.cmpi ne, %sign3A_27, %ne3A : vector<1024x1024xi32>
    %rem3A = vector.broadcast %jit3A : i32 to vector<1024x1024xi32>
    %rem3A_36 = arith.remsi %iota3A_17, %rem3A : vector<1024x1024xi32>
    %ne3A_37 = arith.constant 0 : i32
    %ne3A_38 = vector.broadcast %ne3A_37 : i32 to vector<1024x1024xi32>
    %ne3A_39 = arith.cmpi ne, %rem3A_36, %ne3A_38 : vector<1024x1024xi32>
    %and3A = arith.andi %ne3A_35, %ne3A_39 : vector<1024x1024xi1>
    %sub3A = arith.constant 1 : i32
    %sub3A_40 = vector.broadcast %sub3A : i32 to vector<1024x1024xi32>
    %sub3A_41 = arith.subi %div3A_19, %sub3A_40 : vector<1024x1024xi32>
    %select_n3A = arith.select %and3A, %sub3A_41, %div3A_19 : vector<1024x1024xi1>, vector<1024x1024xi32>
    %iota3A_42 = tpu.iota {dimensions = array<i32: 1>} : vector<1024x1024xi32>
    %jit3A_43 = arith.constant 4 : i32
    %div3A_44 = vector.broadcast %jit3A_43 : i32 to vector<1024x1024xi32>
    %div3A_45 = arith.divsi %iota3A_42, %div3A_44 : vector<1024x1024xi32>
    %sign3A_46 = arith.constant 0 : i32
    %sign3A_47 = vector.broadcast %sign3A_46 : i32 to vector<1024x1024xi32>
    %sign3A_48 = arith.cmpi sgt, %iota3A_42, %sign3A_47 : vector<1024x1024xi32>
    %sign3A_49 = arith.extui %sign3A_48 : vector<1024x1024xi1> to vector<1024x1024xi32>
    %sign3A_50 = arith.constant 0 : i32
    %sign3A_51 = vector.broadcast %sign3A_50 : i32 to vector<1024x1024xi32>
    %sign3A_52 = arith.cmpi slt, %iota3A_42, %sign3A_51 : vector<1024x1024xi32>
    %sign3A_53 = arith.extui %sign3A_52 : vector<1024x1024xi1> to vector<1024x1024xi32>
    %sign3A_54 = arith.subi %sign3A_49, %sign3A_53 : vector<1024x1024xi32>
    %sign3A_55 = arith.constant 0 : i32
    %sign3A_56 = arith.cmpi sgt, %jit3A_43, %sign3A_55 : i32
    %sign3A_57 = arith.extui %sign3A_56 : i1 to i32
    %sign3A_58 = arith.constant 0 : i32
    %sign3A_59 = arith.cmpi slt, %jit3A_43, %sign3A_58 : i32
    %sign3A_60 = arith.extui %sign3A_59 : i1 to i32
    %sign3A_61 = arith.subi %sign3A_57, %sign3A_60 : i32
    %ne3A_62 = vector.broadcast %sign3A_61 : i32 to vector<1024x1024xi32>
    %ne3A_63 = arith.cmpi ne, %sign3A_54, %ne3A_62 : vector<1024x1024xi32>
    %rem3A_64 = vector.broadcast %jit3A_43 : i32 to vector<1024x1024xi32>
    %rem3A_65 = arith.remsi %iota3A_42, %rem3A_64 : vector<1024x1024xi32>
    %ne3A_66 = arith.constant 0 : i32
    %ne3A_67 = vector.broadcast %ne3A_66 : i32 to vector<1024x1024xi32>
    %ne3A_68 = arith.cmpi ne, %rem3A_65, %ne3A_67 : vector<1024x1024xi32>
    %and3A_69 = arith.andi %ne3A_63, %ne3A_68 : vector<1024x1024xi1>
    %sub3A_70 = arith.constant 1 : i32
    %sub3A_71 = vector.broadcast %sub3A_70 : i32 to vector<1024x1024xi32>
    %sub3A_72 = arith.subi %div3A_45, %sub3A_71 : vector<1024x1024xi32>
    %select_n3A_73 = arith.select %and3A_69, %sub3A_72, %div3A_45 : vector<1024x1024xi1>, vector<1024x1024xi32>
    %eq3A_74 = arith.cmpi eq, %select_n3A, %select_n3A_73 : vector<1024x1024xi32>
    %convert_element_type3A_75 = arith.extui %eq3A_74 : vector<1024x1024xi1> to vector<1024x1024xi32>
    %convert_element_type3A_76 = arith.sitofp %convert_element_type3A_75 : vector<1024x1024xi32> to vector<1024x1024xf32>
    %dot_general3A_77 = arith.constant dense<0.000000e+00> : vector<1024x4xf32>
    %dot_general3A_78 = tpu.matmul %convert_element_type3A_76, %mul3A_16, %dot_general3A_77 {dimension_numbers = #tpu.dot_dimension_numbers<[1], [0], [0], [1], [0, 0, 1, 1], [], []>, transpose_lhs_hint = false} : vector<1024x1024xf32>, vector<1024x4xf32>, vector<1024x4xf32> -> vector<1024x4xf32>
    %max3A = arith.constant 9.99999971E-10 : f32
    %max3A_79 = vector.broadcast %max3A : f32 to vector<1024x4xf32>
    %max3A_80 = arith.maximumf %dot_general3A_78, %max3A_79 : vector<1024x4xf32>
    %div3A_81 = arith.divf %mul3A_16, %max3A_80 : vector<1024x4xf32>
    %swap3A = arith.constant 0 : index
    %swap3A_82 = arith.constant 0 : index
    %swap3A_83 = vector.load %arg5[%swap3A, %swap3A_82] : memref<1024x4xf32, #tpu.memory_space<vmem>>, vector<1024x4xf32>
    tpu.vector_store %arg5[%swap3A, %swap3A_82], %div3A_81 {strides = array<i32>} : memref<1024x4xf32, #tpu.memory_space<vmem>>, vector<1024x4xf32>,
    return
  }
  func.func @transform_0(%arg0: i32) -> (i32, i32) {
    %c0_i32 = arith.constant 0 : i32
    %c0_i32_0 = arith.constant 0 : i32
    return %arg0, %c0_i32 : i32, i32
  }
  func.func @transform_1(%arg0: i32) -> (i32, i32) {
    %c0_i32 = arith.constant 0 : i32
    %c0_i32_0 = arith.constant 0 : i32
    return %arg0, %c0_i32 : i32, i32
  }
  func.func @transform_2(%arg0: i32) -> (i32, i32) {
    %c0_i32 = arith.constant 0 : i32
    %c0_i32_0 = arith.constant 0 : i32
    return %arg0, %c0_i32 : i32, i32
  }
  func.func @transform_3(%arg0: i32) -> (i32, i32) {
    %c0_i32 = arith.constant 0 : i32
    %c0_i32_0 = arith.constant 0 : i32
    %c0_i32_1 = arith.constant 0 : i32
    return %c0_i32, %c0_i32_0 : i32, i32
  }
  func.func @transform_4(%arg0: i32) -> (i32, i32) {
    %c0_i32 = arith.constant 0 : i32
    %c0_i32_0 = arith.constant 0 : i32
    return %arg0, %c0_i32 : i32, i32
  }
}

module attributes {stable_mosaic.version = 14 : i64} {
  func.func @_abuild_body(%arg0: i32, %arg1: memref<128x4xi32, #tpu.memory_space<vmem>>, %arg2: memref<128x16xf32, #tpu.memory_space<vmem>>, %arg3: memref<4x128x4096xf32, #tpu.memory_space<vmem>>) attributes {dimension_semantics = [#tpu.dimension_semantics<arbitrary>], iteration_bounds = array<i64: 32>, scalar_prefetch = 0 : i64, scratch_operands = 0 : i64, tpu.core_type = #tpu.core_type<tc>, window_params = [{transform_indices = @transform_0, window_bounds = array<i64: 128, 4>}, {transform_indices = @transform_1, window_bounds = array<i64: 128, 16>}, {transform_indices = @transform_2, window_bounds = array<i64: 4, 128, 4096>}]} {
    %iota3A = tpu.iota {dimensions = array<i32: 1>} : vector<128x4096xi32>
    %broadcast_in_dim3A = arith.constant 0.000000e+00 : f32
    %broadcast_in_dim3A_0 = vector.broadcast %broadcast_in_dim3A : f32 to vector<128x4096xf32>
    %broadcast_in_dim3A_1 = arith.constant 0.000000e+00 : f32
    %broadcast_in_dim3A_2 = vector.broadcast %broadcast_in_dim3A_1 : f32 to vector<128x4096xf32>
    %broadcast_in_dim3A_3 = arith.constant 0.000000e+00 : f32
    %broadcast_in_dim3A_4 = vector.broadcast %broadcast_in_dim3A_3 : f32 to vector<128x4096xf32>
    %broadcast_in_dim3A_5 = arith.constant 0.000000e+00 : f32
    %broadcast_in_dim3A_6 = vector.broadcast %broadcast_in_dim3A_5 : f32 to vector<128x4096xf32>
    %get3A = arith.constant 0 : index
    %get3A_7 = arith.constant 0 : index
    %get3A_8 = vector.load %arg1[%get3A, %get3A_7] : memref<128x4xi32, #tpu.memory_space<vmem>>, vector<128x1xi32>
    %eq3A = vector.broadcast %get3A_8 : vector<128x1xi32> to vector<128x4096xi32>
    %eq3A_9 = arith.cmpi eq, %iota3A, %eq3A : vector<128x4096xi32>
    %convert_element_type3A = arith.extui %eq3A_9 : vector<128x4096xi1> to vector<128x4096xi32>
    %convert_element_type3A_10 = arith.sitofp %convert_element_type3A : vector<128x4096xi32> to vector<128x4096xf32>
    %get3A_11 = arith.constant 0 : index
    %get3A_12 = arith.constant 0 : index
    %get3A_13 = vector.load %arg2[%get3A_11, %get3A_12] : memref<128x16xf32, #tpu.memory_space<vmem>>, vector<128x1xf32>
    %mul3A = vector.broadcast %get3A_13 : vector<128x1xf32> to vector<128x4096xf32>
    %mul3A_14 = arith.mulf %convert_element_type3A_10, %mul3A : vector<128x4096xf32>
    %add3A = arith.addf %broadcast_in_dim3A_0, %mul3A_14 : vector<128x4096xf32>
    %get3A_15 = arith.constant 0 : index
    %get3A_16 = arith.constant 1 : index
    %get3A_17 = vector.load %arg2[%get3A_15, %get3A_16] : memref<128x16xf32, #tpu.memory_space<vmem>>, vector<128x1xf32>
    %mul3A_18 = vector.broadcast %get3A_17 : vector<128x1xf32> to vector<128x4096xf32>
    %mul3A_19 = arith.mulf %convert_element_type3A_10, %mul3A_18 : vector<128x4096xf32>
    %add3A_20 = arith.addf %broadcast_in_dim3A_2, %mul3A_19 : vector<128x4096xf32>
    %get3A_21 = arith.constant 0 : index
    %get3A_22 = arith.constant 2 : index
    %get3A_23 = vector.load %arg2[%get3A_21, %get3A_22] : memref<128x16xf32, #tpu.memory_space<vmem>>, vector<128x1xf32>
    %mul3A_24 = vector.broadcast %get3A_23 : vector<128x1xf32> to vector<128x4096xf32>
    %mul3A_25 = arith.mulf %convert_element_type3A_10, %mul3A_24 : vector<128x4096xf32>
    %add3A_26 = arith.addf %broadcast_in_dim3A_4, %mul3A_25 : vector<128x4096xf32>
    %get3A_27 = arith.constant 0 : index
    %get3A_28 = arith.constant 3 : index
    %get3A_29 = vector.load %arg2[%get3A_27, %get3A_28] : memref<128x16xf32, #tpu.memory_space<vmem>>, vector<128x1xf32>
    %mul3A_30 = vector.broadcast %get3A_29 : vector<128x1xf32> to vector<128x4096xf32>
    %mul3A_31 = arith.mulf %convert_element_type3A_10, %mul3A_30 : vector<128x4096xf32>
    %add3A_32 = arith.addf %broadcast_in_dim3A_6, %mul3A_31 : vector<128x4096xf32>
    %get3A_33 = arith.constant 0 : index
    %get3A_34 = arith.constant 1 : index
    %get3A_35 = vector.load %arg1[%get3A_33, %get3A_34] : memref<128x4xi32, #tpu.memory_space<vmem>>, vector<128x1xi32>
    %eq3A_36 = vector.broadcast %get3A_35 : vector<128x1xi32> to vector<128x4096xi32>
    %eq3A_37 = arith.cmpi eq, %iota3A, %eq3A_36 : vector<128x4096xi32>
    %convert_element_type3A_38 = arith.extui %eq3A_37 : vector<128x4096xi1> to vector<128x4096xi32>
    %convert_element_type3A_39 = arith.sitofp %convert_element_type3A_38 : vector<128x4096xi32> to vector<128x4096xf32>
    %get3A_40 = arith.constant 0 : index
    %get3A_41 = arith.constant 4 : index
    %get3A_42 = vector.load %arg2[%get3A_40, %get3A_41] : memref<128x16xf32, #tpu.memory_space<vmem>>, vector<128x1xf32>
    %mul3A_43 = vector.broadcast %get3A_42 : vector<128x1xf32> to vector<128x4096xf32>
    %mul3A_44 = arith.mulf %convert_element_type3A_39, %mul3A_43 : vector<128x4096xf32>
    %add3A_45 = arith.addf %add3A, %mul3A_44 : vector<128x4096xf32>
    %get3A_46 = arith.constant 0 : index
    %get3A_47 = arith.constant 5 : index
    %get3A_48 = vector.load %arg2[%get3A_46, %get3A_47] : memref<128x16xf32, #tpu.memory_space<vmem>>, vector<128x1xf32>
    %mul3A_49 = vector.broadcast %get3A_48 : vector<128x1xf32> to vector<128x4096xf32>
    %mul3A_50 = arith.mulf %convert_element_type3A_39, %mul3A_49 : vector<128x4096xf32>
    %add3A_51 = arith.addf %add3A_20, %mul3A_50 : vector<128x4096xf32>
    %get3A_52 = arith.constant 0 : index
    %get3A_53 = arith.constant 6 : index
    %get3A_54 = vector.load %arg2[%get3A_52, %get3A_53] : memref<128x16xf32, #tpu.memory_space<vmem>>, vector<128x1xf32>
    %mul3A_55 = vector.broadcast %get3A_54 : vector<128x1xf32> to vector<128x4096xf32>
    %mul3A_56 = arith.mulf %convert_element_type3A_39, %mul3A_55 : vector<128x4096xf32>
    %add3A_57 = arith.addf %add3A_26, %mul3A_56 : vector<128x4096xf32>
    %get3A_58 = arith.constant 0 : index
    %get3A_59 = arith.constant 7 : index
    %get3A_60 = vector.load %arg2[%get3A_58, %get3A_59] : memref<128x16xf32, #tpu.memory_space<vmem>>, vector<128x1xf32>
    %mul3A_61 = vector.broadcast %get3A_60 : vector<128x1xf32> to vector<128x4096xf32>
    %mul3A_62 = arith.mulf %convert_element_type3A_39, %mul3A_61 : vector<128x4096xf32>
    %add3A_63 = arith.addf %add3A_32, %mul3A_62 : vector<128x4096xf32>
    %get3A_64 = arith.constant 0 : index
    %get3A_65 = arith.constant 2 : index
    %get3A_66 = vector.load %arg1[%get3A_64, %get3A_65] : memref<128x4xi32, #tpu.memory_space<vmem>>, vector<128x1xi32>
    %eq3A_67 = vector.broadcast %get3A_66 : vector<128x1xi32> to vector<128x4096xi32>
    %eq3A_68 = arith.cmpi eq, %iota3A, %eq3A_67 : vector<128x4096xi32>
    %convert_element_type3A_69 = arith.extui %eq3A_68 : vector<128x4096xi1> to vector<128x4096xi32>
    %convert_element_type3A_70 = arith.sitofp %convert_element_type3A_69 : vector<128x4096xi32> to vector<128x4096xf32>
    %get3A_71 = arith.constant 0 : index
    %get3A_72 = arith.constant 8 : index
    %get3A_73 = vector.load %arg2[%get3A_71, %get3A_72] : memref<128x16xf32, #tpu.memory_space<vmem>>, vector<128x1xf32>
    %mul3A_74 = vector.broadcast %get3A_73 : vector<128x1xf32> to vector<128x4096xf32>
    %mul3A_75 = arith.mulf %convert_element_type3A_70, %mul3A_74 : vector<128x4096xf32>
    %add3A_76 = arith.addf %add3A_45, %mul3A_75 : vector<128x4096xf32>
    %get3A_77 = arith.constant 0 : index
    %get3A_78 = arith.constant 9 : index
    %get3A_79 = vector.load %arg2[%get3A_77, %get3A_78] : memref<128x16xf32, #tpu.memory_space<vmem>>, vector<128x1xf32>
    %mul3A_80 = vector.broadcast %get3A_79 : vector<128x1xf32> to vector<128x4096xf32>
    %mul3A_81 = arith.mulf %convert_element_type3A_70, %mul3A_80 : vector<128x4096xf32>
    %add3A_82 = arith.addf %add3A_51, %mul3A_81 : vector<128x4096xf32>
    %get3A_83 = arith.constant 0 : index
    %get3A_84 = arith.constant 10 : index
    %get3A_85 = vector.load %arg2[%get3A_83, %get3A_84] : memref<128x16xf32, #tpu.memory_space<vmem>>, vector<128x1xf32>
    %mul3A_86 = vector.broadcast %get3A_85 : vector<128x1xf32> to vector<128x4096xf32>
    %mul3A_87 = arith.mulf %convert_element_type3A_70, %mul3A_86 : vector<128x4096xf32>
    %add3A_88 = arith.addf %add3A_57, %mul3A_87 : vector<128x4096xf32>
    %get3A_89 = arith.constant 0 : index
    %get3A_90 = arith.constant 11 : index
    %get3A_91 = vector.load %arg2[%get3A_89, %get3A_90] : memref<128x16xf32, #tpu.memory_space<vmem>>, vector<128x1xf32>
    %mul3A_92 = vector.broadcast %get3A_91 : vector<128x1xf32> to vector<128x4096xf32>
    %mul3A_93 = arith.mulf %convert_element_type3A_70, %mul3A_92 : vector<128x4096xf32>
    %add3A_94 = arith.addf %add3A_63, %mul3A_93 : vector<128x4096xf32>
    %get3A_95 = arith.constant 0 : index
    %get3A_96 = arith.constant 3 : index
    %get3A_97 = vector.load %arg1[%get3A_95, %get3A_96] : memref<128x4xi32, #tpu.memory_space<vmem>>, vector<128x1xi32>
    %eq3A_98 = vector.broadcast %get3A_97 : vector<128x1xi32> to vector<128x4096xi32>
    %eq3A_99 = arith.cmpi eq, %iota3A, %eq3A_98 : vector<128x4096xi32>
    %convert_element_type3A_100 = arith.extui %eq3A_99 : vector<128x4096xi1> to vector<128x4096xi32>
    %convert_element_type3A_101 = arith.sitofp %convert_element_type3A_100 : vector<128x4096xi32> to vector<128x4096xf32>
    %get3A_102 = arith.constant 0 : index
    %get3A_103 = arith.constant 12 : index
    %get3A_104 = vector.load %arg2[%get3A_102, %get3A_103] : memref<128x16xf32, #tpu.memory_space<vmem>>, vector<128x1xf32>
    %mul3A_105 = vector.broadcast %get3A_104 : vector<128x1xf32> to vector<128x4096xf32>
    %mul3A_106 = arith.mulf %convert_element_type3A_101, %mul3A_105 : vector<128x4096xf32>
    %add3A_107 = arith.addf %add3A_76, %mul3A_106 : vector<128x4096xf32>
    %get3A_108 = arith.constant 0 : index
    %get3A_109 = arith.constant 13 : index
    %get3A_110 = vector.load %arg2[%get3A_108, %get3A_109] : memref<128x16xf32, #tpu.memory_space<vmem>>, vector<128x1xf32>
    %mul3A_111 = vector.broadcast %get3A_110 : vector<128x1xf32> to vector<128x4096xf32>
    %mul3A_112 = arith.mulf %convert_element_type3A_101, %mul3A_111 : vector<128x4096xf32>
    %add3A_113 = arith.addf %add3A_82, %mul3A_112 : vector<128x4096xf32>
    %get3A_114 = arith.constant 0 : index
    %get3A_115 = arith.constant 14 : index
    %get3A_116 = vector.load %arg2[%get3A_114, %get3A_115] : memref<128x16xf32, #tpu.memory_space<vmem>>, vector<128x1xf32>
    %mul3A_117 = vector.broadcast %get3A_116 : vector<128x1xf32> to vector<128x4096xf32>
    %mul3A_118 = arith.mulf %convert_element_type3A_101, %mul3A_117 : vector<128x4096xf32>
    %add3A_119 = arith.addf %add3A_88, %mul3A_118 : vector<128x4096xf32>
    %get3A_120 = arith.constant 0 : index
    %get3A_121 = arith.constant 15 : index
    %get3A_122 = vector.load %arg2[%get3A_120, %get3A_121] : memref<128x16xf32, #tpu.memory_space<vmem>>, vector<128x1xf32>
    %mul3A_123 = vector.broadcast %get3A_122 : vector<128x1xf32> to vector<128x4096xf32>
    %mul3A_124 = arith.mulf %convert_element_type3A_101, %mul3A_123 : vector<128x4096xf32>
    %add3A_125 = arith.addf %add3A_94, %mul3A_124 : vector<128x4096xf32>
    %swap3A = arith.constant 0 : index
    %swap3A_126 = arith.constant 0 : index
    %swap3A_127 = arith.constant 0 : index
    %swap3A_128 = vector.load %arg3[%swap3A, %swap3A_126, %swap3A_127] : memref<4x128x4096xf32, #tpu.memory_space<vmem>>, vector<1x128x4096xf32>
    %swap3A_129 = vector.shape_cast %swap3A_128 : vector<1x128x4096xf32> to vector<128x4096xf32>
    %swap3A_130 = vector.shape_cast %add3A_107 : vector<128x4096xf32> to vector<1x128x4096xf32>
    tpu.vector_store %arg3[%swap3A, %swap3A_126, %swap3A_127], %swap3A_130 {strides = array<i32>} : memref<4x128x4096xf32, #tpu.memory_space<vmem>>, vector<1x128x4096xf32>,
    %swap3A_131 = arith.constant 1 : index
    %swap3A_132 = arith.constant 0 : index
    %swap3A_133 = arith.constant 0 : index
    %swap3A_134 = vector.load %arg3[%swap3A_131, %swap3A_132, %swap3A_133] : memref<4x128x4096xf32, #tpu.memory_space<vmem>>, vector<1x128x4096xf32>
    %swap3A_135 = vector.shape_cast %swap3A_134 : vector<1x128x4096xf32> to vector<128x4096xf32>
    %swap3A_136 = vector.shape_cast %add3A_113 : vector<128x4096xf32> to vector<1x128x4096xf32>
    tpu.vector_store %arg3[%swap3A_131, %swap3A_132, %swap3A_133], %swap3A_136 {strides = array<i32>} : memref<4x128x4096xf32, #tpu.memory_space<vmem>>, vector<1x128x4096xf32>,
    %swap3A_137 = arith.constant 2 : index
    %swap3A_138 = arith.constant 0 : index
    %swap3A_139 = arith.constant 0 : index
    %swap3A_140 = vector.load %arg3[%swap3A_137, %swap3A_138, %swap3A_139] : memref<4x128x4096xf32, #tpu.memory_space<vmem>>, vector<1x128x4096xf32>
    %swap3A_141 = vector.shape_cast %swap3A_140 : vector<1x128x4096xf32> to vector<128x4096xf32>
    %swap3A_142 = vector.shape_cast %add3A_119 : vector<128x4096xf32> to vector<1x128x4096xf32>
    tpu.vector_store %arg3[%swap3A_137, %swap3A_138, %swap3A_139], %swap3A_142 {strides = array<i32>} : memref<4x128x4096xf32, #tpu.memory_space<vmem>>, vector<1x128x4096xf32>,
    %swap3A_143 = arith.constant 3 : index
    %swap3A_144 = arith.constant 0 : index
    %swap3A_145 = arith.constant 0 : index
    %swap3A_146 = vector.load %arg3[%swap3A_143, %swap3A_144, %swap3A_145] : memref<4x128x4096xf32, #tpu.memory_space<vmem>>, vector<1x128x4096xf32>
    %swap3A_147 = vector.shape_cast %swap3A_146 : vector<1x128x4096xf32> to vector<128x4096xf32>
    %swap3A_148 = vector.shape_cast %add3A_125 : vector<128x4096xf32> to vector<1x128x4096xf32>
    tpu.vector_store %arg3[%swap3A_143, %swap3A_144, %swap3A_145], %swap3A_148 {strides = array<i32>} : memref<4x128x4096xf32, #tpu.memory_space<vmem>>, vector<1x128x4096xf32>,
    return
  }
  func.func @transform_0(%arg0: i32) -> (i32, i32) {
    %c0_i32 = arith.constant 0 : i32
    %c0_i32_0 = arith.constant 0 : i32
    return %arg0, %c0_i32 : i32, i32
  }
  func.func @transform_1(%arg0: i32) -> (i32, i32) {
    %c0_i32 = arith.constant 0 : i32
    %c0_i32_0 = arith.constant 0 : i32
    return %arg0, %c0_i32 : i32, i32
  }
  func.func @transform_2(%arg0: i32) -> (i32, i32, i32) {
    %c0_i32 = arith.constant 0 : i32
    %c0_i32_0 = arith.constant 0 : i32
    %c0_i32_1 = arith.constant 0 : i32
    return %c0_i32, %arg0, %c0_i32_0 : i32, i32, i32
  }
}

</mosaic_0001>

<sc_bundles>
// kernel: gather_offload_async_start.1
scs
__scs_entry_jumppad:
0x0: {  	(pc) =	sbr.rel $0x88, $3  }
0x1: {  	(tag) =	ssettag $0x0;
	lr =	simm.s32 $0x1  }
0x2: {  	[smem:$0x3F8E] =	sst lr;
	_ =	strace $0xD0000000  }
0x3: {  	_ = 	snop  }
0x4: {  	_ = 	snop  }
0x5: {  	_ = 	snop  }
0x6: {  	_ = 	snop  }
0x7: {  	_ = 	snop  }
__scs_overlays_trampoline_lowered:
0x8: {  	[smem:$0x3F9D] =	sst s0  }
0x9: {  	[smem:$0x3F9E] =	sst s1  }
0xa: {  	[smem:$0x3F9F] =	sst s2  }
0xb: {  	[smem:$0x3FA0] =	sst s3  }
0xc: {  	[smem:$0x3FA1] =	sst s4  }
0xd: {  	[smem:$0x3FA2] =	sst s5  }
0xe: {  	[smem:$0x3FA3] =	sst s6  }
0xf: {  	[smem:$0x3FA4] =	sst s7  }
0x10: {  	[smem:$0x3FA5] =	sst s8  }
0x11: {  	[smem:$0x3FA6] =	sst s9;
	s0 =	simm.s32 @!p0 $0x0  }
0x12: {  	s1 =	sld [smem:$0x3F8C];
	s0 =	simm.s32 @p0 $0x1  }
0x13: {  	[smem:$0x3FA7] =	sst s0;
	s0 =	simm.s32 @!p1 $0x0  }
0x14: {  	s2 =	sld [smem:$0x3F8B];
	s0 =	simm.s32 @p1 $0x1  }
0x15: {  	[smem:$0x3FA8] =	sst s0;
	s0 =	simm.s32 @!p2 $0x0  }
0x16: {  	s3 =	sld [smem:$0x3FDB];
	s0 =	simm.s32 @p2 $0x1  }
0x17: {  	s4 =	simm.s32 $0x1BF5;
	[smem:$0x3FAA] =	sst s0  }
0x18: {  	s0 =	sld [smem:$0x3F8D];
	_ =	swait.ge [sflag:s4], $0x0  }
0x19: {  	s7 =	sld [smem:$0x3F8E]  }
0x1a: {  	s8 =	sadd.s32 $0xFFFFE003, lr  }
0x1b: {  	s9 =	sadd.s32 $0xFFFFFEF7, lr;
	s5 =	simm.s32 $0xFFFFFFFF;
	p2 =	slt.u32 s8, $0xFFFFF086  }
0x1c: {  	p1 =	slt.u32 s9, $0xF7A;
	s5 =	simm.s32 @!p2 $0x0  }
0x1d: {  	s5 =	simm.s32 @p1 $0x1;
	p0 =	seq.s32 s7, s2  }
0x1e: {  	s7 =	smul.u32 @!p0 $0xF7A, s2;
	p2 =	seq.s32 @!p0 s5, $0x0  }
0x1f: {  	s9 =	smul.u32 $0xF7A, s1;
	s8 =	simm.s32 @!p0 $0x1BF5;
	p2 =	por !p2, p0  }
0x20: {  	[sflag:s8] =	ssyncset.s32 @!p0 $0xFFFFF086;
	s6 =	sadd.s32 @!p0 s3, s7;
	s7 =	simm.s32 @!p0 $0x108  }
0x21: {  	s3 =	sadd.s32 s3, s9;
	s6 =	sadd.s32 @!p0 $0x88, s6;
	s7 =	simm.s32 @p2 $0x1082  }
0x22: {  	[simem:s7], [sflag:s8] =	dma.local @!p0 [hbm:s6], $0xF7A  }
0x23: {  	s9 =	sor.u32 $0xD0000000, s2;
	s6 =	simm.s32 $0x108;
	_ =	swait.ge @!p0 [sflag:s8], $0x0  }
0x24: {  	s3 =	sadd.s32 $0x88, s3;
	s6 =	simm.s32 @!p1 $0x1082;
	[sflag:s4] =	ssyncset.s32 $0xFFFFF086  }
0x25: {  	[simem:s6], [sflag:s4] =	dma.local [hbm:s3], $0xF7A  }
0x26: {  	[smem:$0x3F8E] =	sst s1;
	(tag) =	ssettag s2;
	_ =	strace s9  }
0x27: {  	s1 =	sld [smem:$0x3F9E]  }
0x28: {  	s2 =	sld [smem:$0x3F9F]  }
0x29: {  	s4 =	sld [smem:$0x3FA1]  }
0x2a: {  	p0 =	seq.s32 s5, $0x0;
	s5 =	sld [smem:$0x3FA2]  }
0x2b: {  	s6 =	sld [smem:$0x3FA3]  }
0x2c: {  	s7 =	sld [smem:$0x3FA4]  }
0x2d: {  	s3 =	simm.s32 $0x108;
	s8 =	sld [smem:$0x3FA5]  }
0x2e: {  	s3 =	simm.s32 @!p0 $0x1082;
	s9 =	sld [smem:$0x3FA6]  }
0x2f: {  	lr =	sadd.s32 s0, s3;
	s0 =	sld [smem:$0x3F9D]  }
0x30: {  	s3 =	sld [smem:$0x3FA0]  }
0x31: {  	[smem:$0x3FA9] =	sst s10  }
0x32: {  	s10 =	sld [smem:$0x3FA7];
	_ =	sdelay $0x3  }
0x33: {  	p0 =	seq.s32 s10, $0x1;
	s10 =	sld [smem:$0x3FA9];
	_ =	sdelay $0x3  }
0x34: {  	[smem:$0x3FA9] =	sst s10  }
0x35: {  	s10 =	sld [smem:$0x3FA8];
	_ =	sdelay $0x3  }
0x36: {  	p1 =	seq.s32 s10, $0x1;
	s10 =	sld [smem:$0x3FA9];
	_ =	sdelay $0x3  }
0x37: {  	[smem:$0x3FA9] =	sst s10  }
0x38: {  	s10 =	sld [smem:$0x3FAA]  }
0x39: {  	_ = 	snop;
	(pc) =	sbr.ind lr, $3  }
0x3a: {  	_ = 	snop  }
0x3b: {  	_ = 	snop  }
0x3c: {  	p2 =	seq.s32 s10, $0x1;
	s10 =	sld [smem:$0x3FA9]  }
0x3d: {  	_ =	shalt  }
0x3e: {  	_ =	shalt  }
0x3f: {  	_ =	shalt  }
0x40: {  	_ =	shalt  }
0x41: {  	_ =	shalt  }
0x42: {  	_ =	shalt  }
0x43: {  	_ =	shalt  }
0x44: {  	_ =	shalt  }
0x45: {  	_ =	shalt  }
0x46: {  	_ =	shalt  }
0x47: {  	_ =	shalt  }
0x48: {  	_ =	shalt  }
0x49: {  	_ =	shalt  }
0x4a: {  	_ =	shalt  }
0x4b: {  	_ =	shalt  }
0x4c: {  	_ =	shalt  }
0x4d: {  	_ =	shalt  }
0x4e: {  	_ =	shalt  }
0x4f: {  	_ =	shalt  }
0x50: {  	_ =	shalt  }
0x51: {  	_ =	shalt  }
0x52: {  	_ =	shalt  }
0x53: {  	_ =	shalt  }
0x54: {  	_ =	shalt  }
0x55: {  	_ =	shalt  }
0x56: {  	_ =	shalt  }
0x57: {  	_ =	shalt  }
0x58: {  	_ =	shalt  }
0x59: {  	_ =	shalt  }
0x5a: {  	_ =	shalt  }
0x5b: {  	_ =	shalt  }
0x5c: {  	_ =	shalt  }
0x5d: {  	_ =	shalt  }
0x5e: {  	_ =	shalt  }
0x5f: {  	_ =	shalt  }
0x60: {  	_ =	shalt  }
0x61: {  	_ =	shalt  }
0x62: {  	_ =	shalt  }
0x63: {  	_ =	shalt  }
0x64: {  	_ =	shalt  }
0x65: {  	_ =	shalt  }
0x66: {  	_ =	shalt  }
0x67: {  	_ =	shalt  }
0x68: {  	_ =	shalt  }
0x69: {  	_ =	shalt  }
0x6a: {  	_ =	shalt  }
0x6b: {  	_ =	shalt  }
0x6c: {  	_ =	shalt  }
0x6d: {  	_ =	shalt  }
0x6e: {  	_ =	shalt  }
0x6f: {  	_ =	shalt  }
0x70: {  	_ =	shalt  }
0x71: {  	_ =	shalt  }
0x72: {  	_ =	shalt  }
0x73: {  	_ =	shalt  }
0x74: {  	_ =	shalt  }
0x75: {  	_ =	shalt  }
0x76: {  	_ =	shalt  }
0x77: {  	_ =	shalt  }
0x78: {  	_ =	shalt  }
0x79: {  	_ =	shalt  }
0x7a: {  	_ =	shalt  }
0x7b: {  	_ =	shalt  }
0x7c: {  	_ =	shalt  }
0x7d: {  	_ =	shalt  }
0x7e: {  	_ =	shalt  }
0x7f: {  	_ =	shalt  }
0x80: {  	_ =	shalt  }
0x81: {  	_ =	shalt  }
0x82: {  	_ =	shalt  }
0x83: {  	_ =	shalt  }
0x84: {  	_ =	shalt  }
0x85: {  	_ =	shalt  }
0x86: {  	_ =	shalt  }
0x87: {  	_ =	shalt  }
.Lfunc_end0:
.L_simem_size_0:
called_computation.1_lowered:
.L_overlay_start_0:
0x88: {  	s2 =	sld [smem:$0x3FD9]  }
0x89: {  	s3 =	sld [smem:$0x3FFE];
	_ =	sdelay $0x1  }
0x8a: {  	s1 =	srdreg.scid  }
0x8b: {  	s0 =	sand.u32 $0x1, s1  }
0x8c: {  	s17 =	sshll.u32 s0, $0xA;
	s2 =	sadd.s32 s3, s2  }
0x8d: {  	s2 =	sadd.s32 s2, s17  }
0x8e: {  	[smem:$0x3FB5] =	sst s2  }
0x8f: {  	_ = 	snop  }
0x90: {  	(tm) =	ssettm $0x1  }
0x91: {  	s18 =	sld [smem:$0x3FFB];
	_ =	sdelay $0x3  }
0x92: {  	_ =	strace s18  }
0x93: {  	s2 =	sld [smem:$0x3FFC];
	_ =	sdelay $0x3  }
0x94: {  	_ =	strace s2  }
0x95: {  	s2 =	sld [smem:$0x3FFD];
	_ =	sdelay $0x3  }
0x96: {  	_ =	strace s2  }
0x97: {  	_ =	strace $0x8FFFFFFF  }
0x98: {  	s19 =	sld [smem:$0x3FDB];
	_ =	sdelay $0x1  }
0x99: {  	s20 =	simm.s32 $_scs_section_size  }
0x9a: {  	s4 =	simm.s32 $_size__tile_overlayer_lowered;
	s5 =	simm.s32 $_tile_overlayer_lowered  }
0x9b: {  	s6 =	simm.s32 $0x1BFF;
	s21 =	sshll.u32 s5, $0x1;
	s3 =	sadd.s32 s20, s19  }
0x9c: {  	s22 =	simm.s32 $0x0;
	s4 =	sshll.u32 s4, $0x1;
	s5 =	sadd.s32 s21, s3  }
0x9d: {  	[timem:s22], [sflag:s6] =	dma.local [hbm:s5], s4  }
0x9e: {  	_ =	swait.ge [sflag:s6], s4  }
0x9f: {  	s4 =	ssub.s32 $0x0, s4;
	[sflag:s6] =	ssyncset.done $0x0  }
0xa0: {  	[sflag:s6] =	ssyncadd.s32 s4;
	_ =	sdelay $0x1  }
0xa1: {  	s23 =	simm.s32 $0x1B8B  }
0xa2: {  	_ =	swait.ge [sflag:s23], $0x1  }
0xa3: {  	[sflag:s23] =	ssyncset.done $0x0  }
0xa4: {  	[sflag:s23] =	ssyncadd.s32 $0xFFFFFFFF  }
0xa5: {  	s4 =	sld [smem:$0x0]  }
0xa6: {  	s5 =	sand.u32 $0xFFFFFFFE, s1  }
0xa7: {  	p0 =	sne.s32 s1, s5  }
0xa8: {  	s5 =	sshll.u32 @p0 s5, $0xE  }
0xa9: {  	s5 =	sadd.s32 @p0 $0x11B8D, s5;
	s6 =	sshll.u32 @p0 s4, $0x11  }
0xaa: {  	s5 =	sor.u32 @p0 s6, s5  }
0xab: {  	[sflag:s5] =	ssyncadd.remote.s32 @p0 $0x1;
	_ =	sdelay $0x1  }
0xac: {  	s5 =	simm.s32 @p0 $0x1B8D  }
0xad: {  	_ =	swait.eq @p0 [sflag:s5], $0x1  }
0xae: {  	[sflag:s5] =	ssyncadd.s32 @p0 $0xFFFFFFFF  }
0xaf: {  	s6 =	sshll.u32 @!p0 s1, $0xE  }
0xb0: {  	s6 =	sor.u32 @!p0 $0x4000, s6;
	s5 =	simm.s32 @!p0 $0x1B8D  }
0xb1: {  	s4 =	sshll.u32 @!p0 s4, $0x11;
	s6 =	sadd.s32 @!p0 $0x11B8D, s6;
	_ =	swait.eq @!p0 [sflag:s5], $0x1  }
0xb2: {  	s4 =	sor.u32 @!p0 s4, s6;
	[sflag:s5] =	ssyncadd.s32 @!p0 $0xFFFFFFFF  }
0xb3: {  	s25 =	simm.s32 $0x1B8E;
	s24 =	sld [smem:$0x3FFE];
	[sflag:s4] =	ssyncadd.remote.s32 @!p0 $0x1  }
0xb4: {  	s26 =	simm.s32 $execute0_lowered;
	[smem:$0x3FD2] =	sst s25  }
0xb5: {  	s5 =	sshll.u32 s26, $0x1;
	_ =	strace $0x8000004C;
	[dreg:$0x1] =	wrdreg $0xFFFFFFFF  }
0xb6: {  	s28 =	simm.s32 $_size_execute0_lowered;
	s3 =	sadd.s32 s3, s5;
	[dreg:$0x0] =	wrdreg $0x0  }
0xb7: {  	s5 =	sshll.u32 s28, $0x1;
	[dreg:$0x2] =	wrdreg s3  }
0xb8: {  	[dreg:$0x3] =	wrdreg s5  }
0xb9: {  	[dreg:$0x4] =	wrdreg $0xC0  }
0xba: {  	_ =	task [dreg:s22], $0x5FFFF  }
0xbb: {  	[dreg:$0x1] =	wrdreg $0xFFFFFFFF  }
0xbc: {  	[dreg:$0x0] =	wrdreg $0x60  }
0xbd: {  	[dreg:$0x2] =	wrdreg s24  }
0xbe: {  	[dreg:$0x3] =	wrdreg $0xA  }
0xbf: {  	_ =	task.clear_ibuf [dreg:s22], $0x4FFFF;
	_ =	strace $0x9000004C  }
0xc0: {  	s29 =	simm.s32 $0xA;
	_ =	strace $0x8000004E  }
0xc1: {  	_ =	swait.ge [sflag:s29], $0x1  }
0xc2: {  	[sflag:s29] =	ssyncadd.s32 $0xFFFFFFFF  }
0xc3: {  	_ =	strace $0x9000004E  }
0xc4: {  	_ =	sfence  }
0xc5: {  	s30 =	sld [smem:$0x0];
	_ =	sdelay $0x2  }
0xc6: {  	s31 =	sshll.u32 s1, $0xD;
	s1 =	sshrl.u32 s1, $0x2  }
0xc7: {  	s4 =	sand.u32 $0x4000, s31;
	s1 =	sadd.s32 s1, s30  }
0xc8: {  	s0 =	sor.u32 s4, s0;
	s1 =	sshll.u32 s1, $0x11  }
0xc9: {  	s0 =	sor.u32 s1, s0  }
0xca: {  	s0 =	sadd.s32 $0x8F2B, s0  }
0xcb: {  	[sflag:s0] =	ssyncadd.remote.s32 $0x1  }
0xcc: {  	_ =	sfence.sel $0xFFFF  }
0xcd: {  	[dreg:$0x0] =	wrdreg $0xFFFFFFFF;
	(pc) =	sbr.abs _section_cstart, $3  }
0xce: {  	[dreg:$0x1] =	wrdreg $0xFFFFFFFF  }
0xcf: {  	_ =	task.clear_ibuf [dreg:s22], $0x2FFFF;
	_ =	strace $0x9FFFFFFF  }
0xd0: {  	(tm) =	ssettm $0x7FFFFFFF  }
0xd1: {  	_ =	shalt  }
tec
execute0_lowered:
.L_overlay_start_1:
0x0: {  	(tag) =	ssettag $0x1  }
0x1: {  	s0 =	srdreg.scid;
	s5 =	rddreg [dreg:$0x0]  }
0x2: {  	s1 =	stileid.u32;
	s6 =	simm.s32 $0x1;
	s9 =	simm.s32 $0x1  }
0x3: {  	s10 =	simm.s32 $0x3;
	s13 =	simm.s32 $0x0;
	s2 =	sshll.u32 s0, $0x6  }
0x4: {  	s12 =	simm.s32 $0x0;
	s3 =	sshll.u32 s1, $0x7;
	s2 =	sand.u32 $0x40, s2  }
0x5: {  	s0 =	rddreg [dreg:$0x1];
	_ =	strace $0x8000004D;
	s2 =	sor.u32 s3, s2  }
0x6: {  	s4 =	sadd.s32 $0x40200, s5;
	[sflag:s6] =	ssyncpa.u1 $0x0;
	s8 =	ssub.s32 $0x1000, s2  }
.Ltmp0:
0x7: {  	s3 =	sadd.s32 $0x100000, s5;
	s7 =	sand.u32 $0x7C0, s8;
	(pc) =	sbr.rel .LBB2_1-.Ltmp0, $4  }
0x8: {  	s5 =	sadd.s32 $0x40600, s5;
	s11 =	smov.u32 s2;
	p0 =	sne.s32 s7, $0x0  }
0x9: {  	s8 =	sshrl.u32 s8, $0xB;
	s7 =	simm.s32 $0x2;
	s9 =	simm.s32 @!p0 $0x0  }
0xa: {  	[sflag:s7] =	ssyncpa.u1 $0x0;
	p0 =	por $0x0, $0x0;
	s8 =	sadd.s32 s9, s8  }
0xb: {  	vm0 =	vmmov $0xffff;
	[sflag:s10] =	ssyncpa.u1 $0x0;
	s10 =	simm.s32 $0x0;
	s9 =	sadd.s32 $0x1, s8  }
.LBB2_4:
0xc: {  	v5 =	vshrl.u32 v1, $0xC;
	v6 =	vshll.u32 v1, $0x7  }
0xd: {  	vm1 =	veq.s32 v1, $0x80000000;
	v58 =	vand.u32 $0x1F, v5;
	v59 =	vand.u32 $0x7FF80, v6  }
0xe: {  	v1 =	vsel vm1, $0xFFFFFFFF, v58;
	v5 =	vsel vm1, $0xFFFFFF80, v59  }
0xf: {  	v3 =	vor.u32 v4, v3;
	v60 =	vand.u32 $0xFFFFFC00, v5;
	v61 =	vand.u32 $0xFFFFFC00, v1  }
0x10: {  	v2 =	vor.u32 v2, v3;
	v63 =	vand.u32 $0x380, v5;
	v62 =	vadd.s32 v61, v60  }
0x11: {  	v1 =	vand.u32 $0x7F, v1;
	v3 =	vor.u32 v63, v62  }
0x12: {  	v1 =	vor.u32 v1, v3  }
0x13: {  	[tilespmem:s15], [sflag:$0x1] =	stream.indirect_vreg.gather [hbm4b:s3+s10], $0x1, v0, vm0, $0x4038;
	[tilespmem:$0x100] =	vst v63  }
0x14: {  	(ifvalue) =	ssetifvalue $0x7FFFFFFF  }
0x15: {  	[tilespmem:s16], [sflag:$0x1] =	stream.indirect_vreg.gather [hbm4b:s3+s10], $0x1, v2, vm0, $0x4038;
	[tilespmem:$0x100] =	vst v63  }
0x16: {  	s29 =	sadd.s32 $0x10, s16;
	(ifvalue) =	ssetifvalue $0x7FFFFFFF  }
0x17: {  	[tilespmem:s29], [sflag:$0x1] =	stream.indirect_vreg.gather [hbm4b:s3+s10], $0x1, v1, vm0, $0x4038;
	[tilespmem:$0x100] =	vst v63  }
0x18: {  	_ =	swait.ge [sflag:s6], $0x40  }
0x19: {  	s30 =	sshrl.u32 s13, $0x3;
	[sflag:s6] =	ssyncset.done $0x0  }
0x1a: {  	s31 =	sand.u32 $0x7, s13;
	s15 =	sadd.s32 s5, s30;
	[sflag:s6] =	ssyncadd.s32 $0xFFFFFFC0  }
0x1b: {  	[hbm4b:s15+s31] =	stream.linear.scatter [tilespmem:s14], [sflag:$0x3], $0x40, $0x38;
	[tilespmem:$0x100] =	vst v63  }
.LBB2_5:
0x1c: {  	s15 =	sadd.s32 $0x800, s11  }
0x1d: {  	p2 =	sgt.s32 s15, $0xFFF  }
0x1e: {  	s15 =	smov.u32 @p2 s2;
	p2 =	sne.s32 s12, s9  }
.Ltmp1:
0x1f: {  	p1 =	slt.u32 s12, $0x2;
	(pc) =	sbr.rel @!p2 .LBB2_6-.Ltmp1, $4  }
0x20: {  	s14 =	simm.s32 @!p1 $0x3  }
0x21: {  	s16 =	sadd.s32 $0x1, s12;
	_ =	swait.ge @!p1 [sflag:s14], $0x40  }
0x22: {  	s13 =	smov.u32 s11;
	p0 =	por !p0, !p0;
	[sflag:s14] =	ssyncset.done @!p1 $0x0  }
0x23: {  	s12 =	smov.u32 s16;
	s11 =	smov.u32 s15;
	[sflag:s14] =	ssyncadd.s32 @!p1 $0xFFFFFFC0  }
.LBB2_1:
0x24: {  	p1 =	sge.u32 s12, s8  }
0x25: {  	s14 =	sxor.u32 @!p1 $0xFFFFFFFF, s12  }
0x26: {  	s31 =	sadd.s32 $0xFFFFFFFF, s12;
	s15 =	sshrl.u32 @!p1 s11, $0x3;
	s14 =	sshll.u32 @!p1 s14, $0x6  }
0x27: {  	s16 =	sand.u32 @!p1 $0x7, s11;
	s15 =	sadd.s32 @!p1 s4, s15;
	s14 =	sand.u32 @!p1 $0x40, s14  }
0x28: {  	[tilespmem:s14], [sflag:$0x2] =	stream.linear.gather @!p1 [hbm4b:s15+s16], $0x40, $0x38;
	[tilespmem:$0x100] =	vst v63  }
0x29: {  	p1 =	sge.u32 s31, s8  }
.Ltmp2:
0x2a: {  	_ = 	snop;
	(pc) =	sbr.rel @p1 .LBB2_5-.Ltmp2, $1  }
0x2b: {  	_ =	sdelay $0x3  }
0x2c: {  	s14 =	simm.s32 $0x1  }
0x2d: {  	_ =	swait.ge [sflag:s7], $0x40;
	s14 =	simm.s32 @!p0 $0x0  }
0x2e: {  	[sflag:s7] =	ssyncset.done $0x0;
	s14 =	sshll.u32 s14, $0x6  }
0x2f: {  	[sflag:s7] =	ssyncadd.s32 $0xFFFFFFC0;
	(ifvalue) =	ssetifvalue $0x7FFFFFFF;
	v0 =	vld.msk [tilespmem:s14+$0x0 ss:$0x1], $0xffff;
	_ =	sdelay $0x4  }
0x30: {  	s15 =	sadd.s32 $0x10, s14;
	v2 =	vshrl.u32 v0, $0xC;
	v3 =	vshll.u32 v0, $0x7  }
0x31: {  	v1 =	vld.msk [tilespmem:s15+$0x0 ss:$0x1], $0xffff;
	vm1 =	veq.s32 v0, $0x80000000;
	v0 =	vand.u32 $0x1F, v2;
	v2 =	vand.u32 $0x7FF80, v3  }
0x32: {  	v0 =	vsel vm1, $0xFFFFFFFF, v0;
	v2 =	vsel vm1, $0xFFFFFF80, v2  }
0x33: {  	v3 =	vand.u32 $0xFFFFFC00, v2;
	v4 =	vand.u32 $0xFFFFFC00, v0  }
0x34: {  	v2 =	vand.u32 $0x380, v2;
	v3 =	vadd.s32 v4, v3  }
0x35: {  	v0 =	vand.u32 $0x7F, v0;
	v2 =	vor.u32 v2, v3  }
0x36: {  	v5 =	vshll.u32 v1, $0x7;
	v4 =	vshrl.u32 v1, $0xC;
	v0 =	vor.u32 v0, v2  }
0x37: {  	s16 =	sshll.u32 s12, $0x6;
	vm1 =	veq.s32 v1, $0x80000000;
	v1 =	vand.u32 $0x1F, v4;
	v4 =	vand.u32 $0x7FF80, v5  }
0x38: {  	s16 =	sand.u32 $0x40, s16;
	s18 =	sadd.s32 $0x10, s15;
	v3 =	vsel vm1, $0xFFFFFFFF, v1;
	v4 =	vsel vm1, $0xFFFFFF80, v4  }
0x39: {  	s17 =	simm.s32 $0x20;
	s15 =	sor.u32 $0x80, s14;
	s14 =	sor.u32 $0x80, s16;
	v1 =	vld.msk [tilespmem:s18+$0x0 ss:$0x1], $0xffff;
	v5 =	vand.u32 $0xFFFFFC00, v4;
	v6 =	vand.u32 $0xFFFFFC00, v3  }
0x3a: {  	s16 =	sadd.s32 $0x10, s15;
	s18 =	sadd.s32 $0x10, s18;
	(ifvalue) =	ssetifvalue $0x7FFFFFFF;
	v2 =	vand.u32 $0x7F, v3;
	v4 =	vand.u32 $0x380, v4;
	v3 =	vadd.s32 v6, v5  }
.LBB2_3:
0x3b: {  	[tilespmem:s15], [sflag:$0x1] =	stream.indirect_vreg.gather [hbm4b:s3+s10], $0x1, v0, vm0, $0x4038;
	[tilespmem:$0x100] =	vst v63  }
0x3c: {  	s17 =	sadd.s32 $0x10, s17  }
0x3d: {  	v3 =	vor.u32 v4, v3;
	p1 =	slt.u32 s17, $0x30  }
.Ltmp3:
0x3e: {  	v4 =	vshrl.u32 v1, $0xC;
	v5 =	vshll.u32 v1, $0x7;
	s15 =	smov.u32 s16;
	v0 =	vor.u32 v2, v3;
	v2 =	vmovc v1;
	v1 =	vld.msk [tilespmem:s18+$0x0 ss:$0x1], $0xffff;
	(pc) =	sbr.rel @p1 .LBB2_3-.Ltmp3, $4  }
0x3f: {  	v3 =	vand.u32 $0x7FF80, v5;
	vm1 =	veq.s32 v2, $0x80000000;
	v2 =	vand.u32 $0x1F, v4  }
0x40: {  	v4 =	vsel vm1, $0xFFFFFFFF, v2;
	v5 =	vsel vm1, $0xFFFFFF80, v3  }
0x41: {  	v2 =	vand.u32 $0x7F, v4;
	v3 =	vand.u32 $0xFFFFFC00, v5;
	v4 =	vand.u32 $0xFFFFFC00, v4  }
0x42: {  	s16 =	sadd.s32 $0x10, s16;
	s18 =	sadd.s32 $0x10, s18;
	v3 =	vadd.s32 v4, v3;
	v4 =	vand.u32 $0x380, v5;
	(ifvalue) =	ssetifvalue $0x7FFFFFFF  }
.Ltmp4:
0x43: {  	_ = 	snop;
	(pc) =	sbr.rel .LBB2_4-.Ltmp4, $1  }
0x44: {  	_ =	sdelay $0x3  }
.LBB2_6:
0x45: {  	_ =	sfence.sel $0x180000  }
0x46: {  	s2 =	simm.s32 $0x2;
	[bflag:$0x0] =	sbarrier.arrive $0xFFFF  }
0x47: {  	s30 =	simm.s32 $0x3;
	[sflag:s2] =	ssyncpa.u1 $0x1  }
0x48: {  	s31 =	simm.s32 $0x1;
	[sflag:s30] =	ssyncpa.u1 $0x1  }
0x49: {  	[sflag:s31] =	ssyncpa.u1 $0x1  }
0x4a: {  	p0 =	sne.s32 s1, $0x0;
	_ =	strace $0x9000004D  }
0x4b: {  	s0 =	sadd.s32 @!p0 $0x100000, s0;
	[bflag:$0x2] =	sbarrier.arrive $0xFFFF  }
0x4c: {  	[sflag:s0] =	ssyncadd.tile.s32 @!p0 $0x1;
	_ =	shalt  }
.Lfunc_end2:
_tile_overlayer_lowered:
.L_overlay_start_2:
0x4d: {  	(tag) =	ssettag $0x2  }
0x4e: {  	s0 =	rddreg [dreg:$0x0];
	s2 =	stileid.u32  }
0x4f: {  	s1 =	rddreg [dreg:$0x1];
	p0 =	sne.s32 s2, $0x0  }
0x50: {  	s3 =	rddreg [dreg:$0x2];
	[bflag:$0x3] =	sbarrier.arrive $0xFFFF;
	s2 =	simm.s32 @!p0 $0x1C01  }
0x51: {  	[timem:s3], [sflag:s2] =	dma.local @!p0 [hbm:s0], s1  }
0x52: {  	s0 =	simm.s32 @!p0 $0x1  }
0x53: {  	_ =	swait.ge @!p0 [sflag:s0], s1  }
0x54: {  	s1 =	ssub.s32 @!p0 $0x0, s1;
	[sflag:s0] =	ssyncset.done @!p0 $0x0  }
0x55: {  	[sflag:s0] =	ssyncadd.s32 @!p0 s1  }
0x56: {  	[bflag:$0x3] =	sbarrier.arrive $0xFFFF  }
0x57: {  	_ =	shalt  }

// kernel: gather_offload_async_start.2
scs
__scs_entry_jumppad:
0x0: {  	(pc) =	sbr.rel $0x88, $3  }
0x1: {  	(tag) =	ssettag $0x0;
	lr =	simm.s32 $0x1  }
0x2: {  	[smem:$0x3F8E] =	sst lr;
	_ =	strace $0xD0000000  }
0x3: {  	_ = 	snop  }
0x4: {  	_ = 	snop  }
0x5: {  	_ = 	snop  }
0x6: {  	_ = 	snop  }
0x7: {  	_ = 	snop  }
__scs_overlays_trampoline_lowered:
0x8: {  	[smem:$0x3F9D] =	sst s0  }
0x9: {  	[smem:$0x3F9E] =	sst s1  }
0xa: {  	[smem:$0x3F9F] =	sst s2  }
0xb: {  	[smem:$0x3FA0] =	sst s3  }
0xc: {  	[smem:$0x3FA1] =	sst s4  }
0xd: {  	[smem:$0x3FA2] =	sst s5  }
0xe: {  	[smem:$0x3FA3] =	sst s6  }
0xf: {  	[smem:$0x3FA4] =	sst s7  }
0x10: {  	[smem:$0x3FA5] =	sst s8  }
0x11: {  	[smem:$0x3FA6] =	sst s9;
	s0 =	simm.s32 @!p0 $0x0  }
0x12: {  	s1 =	sld [smem:$0x3F8C];
	s0 =	simm.s32 @p0 $0x1  }
0x13: {  	[smem:$0x3FA7] =	sst s0;
	s0 =	simm.s32 @!p1 $0x0  }
0x14: {  	s2 =	sld [smem:$0x3F8B];
	s0 =	simm.s32 @p1 $0x1  }
0x15: {  	[smem:$0x3FA8] =	sst s0;
	s0 =	simm.s32 @!p2 $0x0  }
0x16: {  	s3 =	sld [smem:$0x3FDB];
	s0 =	simm.s32 @p2 $0x1  }
0x17: {  	s4 =	simm.s32 $0x1BF5;
	[smem:$0x3FAA] =	sst s0  }
0x18: {  	s0 =	sld [smem:$0x3F8D];
	_ =	swait.ge [sflag:s4], $0x0  }
0x19: {  	s7 =	sld [smem:$0x3F8E]  }
0x1a: {  	s8 =	sadd.s32 $0xFFFFE003, lr  }
0x1b: {  	s9 =	sadd.s32 $0xFFFFFEF7, lr;
	s5 =	simm.s32 $0xFFFFFFFF;
	p2 =	slt.u32 s8, $0xFFFFF086  }
0x1c: {  	p1 =	slt.u32 s9, $0xF7A;
	s5 =	simm.s32 @!p2 $0x0  }
0x1d: {  	s5 =	simm.s32 @p1 $0x1;
	p0 =	seq.s32 s7, s2  }
0x1e: {  	s7 =	smul.u32 @!p0 $0xF7A, s2;
	p2 =	seq.s32 @!p0 s5, $0x0  }
0x1f: {  	s9 =	smul.u32 $0xF7A, s1;
	s8 =	simm.s32 @!p0 $0x1BF5;
	p2 =	por !p2, p0  }
0x20: {  	[sflag:s8] =	ssyncset.s32 @!p0 $0xFFFFF086;
	s6 =	sadd.s32 @!p0 s3, s7;
	s7 =	simm.s32 @!p0 $0x108  }
0x21: {  	s3 =	sadd.s32 s3, s9;
	s6 =	sadd.s32 @!p0 $0x88, s6;
	s7 =	simm.s32 @p2 $0x1082  }
0x22: {  	[simem:s7], [sflag:s8] =	dma.local @!p0 [hbm:s6], $0xF7A  }
0x23: {  	s9 =	sor.u32 $0xD0000000, s2;
	s6 =	simm.s32 $0x108;
	_ =	swait.ge @!p0 [sflag:s8], $0x0  }
0x24: {  	s3 =	sadd.s32 $0x88, s3;
	s6 =	simm.s32 @!p1 $0x1082;
	[sflag:s4] =	ssyncset.s32 $0xFFFFF086  }
0x25: {  	[simem:s6], [sflag:s4] =	dma.local [hbm:s3], $0xF7A  }
0x26: {  	[smem:$0x3F8E] =	sst s1;
	(tag) =	ssettag s2;
	_ =	strace s9  }
0x27: {  	s1 =	sld [smem:$0x3F9E]  }
0x28: {  	s2 =	sld [smem:$0x3F9F]  }
0x29: {  	s4 =	sld [smem:$0x3FA1]  }
0x2a: {  	p0 =	seq.s32 s5, $0x0;
	s5 =	sld [smem:$0x3FA2]  }
0x2b: {  	s6 =	sld [smem:$0x3FA3]  }
0x2c: {  	s7 =	sld [smem:$0x3FA4]  }
0x2d: {  	s3 =	simm.s32 $0x108;
	s8 =	sld [smem:$0x3FA5]  }
0x2e: {  	s3 =	simm.s32 @!p0 $0x1082;
	s9 =	sld [smem:$0x3FA6]  }
0x2f: {  	lr =	sadd.s32 s0, s3;
	s0 =	sld [smem:$0x3F9D]  }
0x30: {  	s3 =	sld [smem:$0x3FA0]  }
0x31: {  	[smem:$0x3FA9] =	sst s10  }
0x32: {  	s10 =	sld [smem:$0x3FA7];
	_ =	sdelay $0x3  }
0x33: {  	p0 =	seq.s32 s10, $0x1;
	s10 =	sld [smem:$0x3FA9];
	_ =	sdelay $0x3  }
0x34: {  	[smem:$0x3FA9] =	sst s10  }
0x35: {  	s10 =	sld [smem:$0x3FA8];
	_ =	sdelay $0x3  }
0x36: {  	p1 =	seq.s32 s10, $0x1;
	s10 =	sld [smem:$0x3FA9];
	_ =	sdelay $0x3  }
0x37: {  	[smem:$0x3FA9] =	sst s10  }
0x38: {  	s10 =	sld [smem:$0x3FAA]  }
0x39: {  	_ = 	snop;
	(pc) =	sbr.ind lr, $3  }
0x3a: {  	_ = 	snop  }
0x3b: {  	_ = 	snop  }
0x3c: {  	p2 =	seq.s32 s10, $0x1;
	s10 =	sld [smem:$0x3FA9]  }
0x3d: {  	_ =	shalt  }
0x3e: {  	_ =	shalt  }
0x3f: {  	_ =	shalt  }
0x40: {  	_ =	shalt  }
0x41: {  	_ =	shalt  }
0x42: {  	_ =	shalt  }
0x43: {  	_ =	shalt  }
0x44: {  	_ =	shalt  }
0x45: {  	_ =	shalt  }
0x46: {  	_ =	shalt  }
0x47: {  	_ =	shalt  }
0x48: {  	_ =	shalt  }
0x49: {  	_ =	shalt  }
0x4a: {  	_ =	shalt  }
0x4b: {  	_ =	shalt  }
0x4c: {  	_ =	shalt  }
0x4d: {  	_ =	shalt  }
0x4e: {  	_ =	shalt  }
0x4f: {  	_ =	shalt  }
0x50: {  	_ =	shalt  }
0x51: {  	_ =	shalt  }
0x52: {  	_ =	shalt  }
0x53: {  	_ =	shalt  }
0x54: {  	_ =	shalt  }
0x55: {  	_ =	shalt  }
0x56: {  	_ =	shalt  }
0x57: {  	_ =	shalt  }
0x58: {  	_ =	shalt  }
0x59: {  	_ =	shalt  }
0x5a: {  	_ =	shalt  }
0x5b: {  	_ =	shalt  }
0x5c: {  	_ =	shalt  }
0x5d: {  	_ =	shalt  }
0x5e: {  	_ =	shalt  }
0x5f: {  	_ =	shalt  }
0x60: {  	_ =	shalt  }
0x61: {  	_ =	shalt  }
0x62: {  	_ =	shalt  }
0x63: {  	_ =	shalt  }
0x64: {  	_ =	shalt  }
0x65: {  	_ =	shalt  }
0x66: {  	_ =	shalt  }
0x67: {  	_ =	shalt  }
0x68: {  	_ =	shalt  }
0x69: {  	_ =	shalt  }
0x6a: {  	_ =	shalt  }
0x6b: {  	_ =	shalt  }
0x6c: {  	_ =	shalt  }
0x6d: {  	_ =	shalt  }
0x6e: {  	_ =	shalt  }
0x6f: {  	_ =	shalt  }
0x70: {  	_ =	shalt  }
0x71: {  	_ =	shalt  }
0x72: {  	_ =	shalt  }
0x73: {  	_ =	shalt  }
0x74: {  	_ =	shalt  }
0x75: {  	_ =	shalt  }
0x76: {  	_ =	shalt  }
0x77: {  	_ =	shalt  }
0x78: {  	_ =	shalt  }
0x79: {  	_ =	shalt  }
0x7a: {  	_ =	shalt  }
0x7b: {  	_ =	shalt  }
0x7c: {  	_ =	shalt  }
0x7d: {  	_ =	shalt  }
0x7e: {  	_ =	shalt  }
0x7f: {  	_ =	shalt  }
0x80: {  	_ =	shalt  }
0x81: {  	_ =	shalt  }
0x82: {  	_ =	shalt  }
0x83: {  	_ =	shalt  }
0x84: {  	_ =	shalt  }
0x85: {  	_ =	shalt  }
0x86: {  	_ =	shalt  }
0x87: {  	_ =	shalt  }
.Lfunc_end0:
.L_simem_size_0:
called_computation.2_lowered:
.L_overlay_start_0:
0x88: {  	s2 =	sld [smem:$0x3FD9]  }
0x89: {  	s3 =	sld [smem:$0x3FFE];
	_ =	sdelay $0x1  }
0x8a: {  	s1 =	srdreg.scid  }
0x8b: {  	s0 =	sand.u32 $0x1, s1  }
0x8c: {  	s14 =	sshll.u32 s0, $0xA;
	s2 =	sadd.s32 s3, s2  }
0x8d: {  	s2 =	sadd.s32 s2, s14  }
0x8e: {  	[smem:$0x3FB5] =	sst s2  }
0x8f: {  	_ = 	snop  }
0x90: {  	s2 =	sld [smem:$0x3FD0];
	_ =	sdelay $0x2  }
0x91: {  	s15 =	simm.s32 $0xB;
	s4 =	simm.s32 $0x10  }
0x92: {  	[smem:s4], [sflag:s15] =	dma.local [hbm:s2], $0x1  }
0x93: {  	_ =	swait.eq [sflag:s15], $0x1  }
0x94: {  	[sflag:s15] =	ssyncset.done $0x0  }
0x95: {  	[sflag:s15] =	ssyncadd.s32 $0xFFFFFFFF  }
0x96: {  	s16 =	sld [smem:$0x11];
	(tm) =	ssettm $0x1  }
0x97: {  	s17 =	sld [smem:$0x3FFB];
	_ =	sdelay $0x3  }
0x98: {  	_ =	strace s17  }
0x99: {  	s3 =	sld [smem:$0x3FFC];
	_ =	sdelay $0x3  }
0x9a: {  	_ =	strace s3  }
0x9b: {  	s3 =	sld [smem:$0x3FFD];
	_ =	sdelay $0x3  }
0x9c: {  	_ =	strace s3  }
0x9d: {  	_ =	strace $0x8FFFFFFF  }
0x9e: {  	s18 =	sld [smem:$0x3FDB];
	_ =	sdelay $0x1  }
0x9f: {  	s19 =	simm.s32 $_scs_section_size  }
0xa0: {  	s5 =	simm.s32 $_size__tile_overlayer_lowered;
	s6 =	simm.s32 $_tile_overlayer_lowered  }
0xa1: {  	s22 =	simm.s32 $0x1BFF;
	s21 =	sshll.u32 s6, $0x1;
	s3 =	sadd.s32 s19, s18  }
0xa2: {  	s7 =	simm.s32 $0x0;
	s20 =	sshll.u32 s5, $0x1;
	s5 =	sadd.s32 s21, s3  }
0xa3: {  	[timem:s7], [sflag:s22] =	dma.local [hbm:s5], s20  }
0xa4: {  	_ =	swait.ge [sflag:s22], s20  }
0xa5: {  	s4 =	ssub.s32 $0x0, s20;
	[sflag:s22] =	ssyncset.done $0x0  }
0xa6: {  	[sflag:s22] =	ssyncadd.s32 s4;
	_ =	sdelay $0x1  }
0xa7: {  	s23 =	simm.s32 $0x1B8B  }
0xa8: {  	_ =	swait.ge [sflag:s23], $0x1  }
0xa9: {  	[sflag:s23] =	ssyncset.done $0x0  }
0xaa: {  	s25 =	simm.s32 $0x1B8E;
	s24 =	sld [smem:$0x3FFE];
	[sflag:s23] =	ssyncadd.s32 $0xFFFFFFFF  }
0xab: {  	s26 =	simm.s32 $execute0_lowered;
	[smem:$0x3FD2] =	sst s25  }
0xac: {  	s5 =	sshll.u32 s26, $0x1;
	_ =	strace $0x8000004F;
	[dreg:$0x1] =	wrdreg $0xFFFFFFFF  }
0xad: {  	s28 =	simm.s32 $_size_execute0_lowered;
	s3 =	sadd.s32 s3, s5;
	[dreg:$0x0] =	wrdreg $0x0  }
0xae: {  	s5 =	sshll.u32 s28, $0x1;
	[dreg:$0x2] =	wrdreg s3  }
0xaf: {  	[dreg:$0x3] =	wrdreg s5  }
0xb0: {  	[dreg:$0x4] =	wrdreg $0xC0  }
0xb1: {  	_ =	task [dreg:s7], $0x5FFFF  }
0xb2: {  	[dreg:$0x1] =	wrdreg $0xFFFFFFFF  }
0xb3: {  	[dreg:$0x0] =	wrdreg $0x60  }
0xb4: {  	[dreg:$0x2] =	wrdreg s24  }
0xb5: {  	[dreg:$0x3] =	wrdreg s16  }
0xb6: {  	[dreg:$0x4] =	wrdreg $0x9  }
0xb7: {  	_ =	task.clear_ibuf [dreg:s7], $0x5FFFF;
	_ =	strace $0x9000004F  }
0xb8: {  	s29 =	simm.s32 $0x9;
	_ =	strace $0x80000051  }
0xb9: {  	_ =	swait.ge [sflag:s29], $0x1  }
0xba: {  	[sflag:s29] =	ssyncadd.s32 $0xFFFFFFFF  }
0xbb: {  	_ =	strace $0x90000051  }
0xbc: {  	_ =	sfence  }
0xbd: {  	s30 =	sld [smem:$0x0];
	_ =	sdelay $0x2  }
0xbe: {  	s31 =	sshll.u32 s1, $0xD;
	s1 =	sshrl.u32 s1, $0x2  }
0xbf: {  	s3 =	sand.u32 $0x4000, s31;
	s1 =	sadd.s32 s1, s30  }
0xc0: {  	s0 =	sor.u32 s3, s0;
	s1 =	sshll.u32 s1, $0x11  }
0xc1: {  	s0 =	sor.u32 s1, s0  }
0xc2: {  	s0 =	sadd.s32 $0x8F2B, s0  }
0xc3: {  	[sflag:s0] =	ssyncadd.remote.s32 $0x1  }
0xc4: {  	_ =	sfence.sel $0xFFFF  }
0xc5: {  	[dreg:$0x0] =	wrdreg $0xFFFFFFFF;
	(pc) =	sbr.abs _section_cstart, $3  }
0xc6: {  	[dreg:$0x1] =	wrdreg $0xFFFFFFFF  }
0xc7: {  	_ =	task.clear_ibuf [dreg:s7], $0x2FFFF;
	_ =	strace $0x9FFFFFFF  }
0xc8: {  	(tm) =	ssettm $0x7FFFFFFF  }
0xc9: {  	_ =	shalt  }
tec
execute0_lowered:
.L_overlay_start_1:
0x0: {  	(tag) =	ssettag $0x1  }
0x1: {  	s1 =	srdreg.scid;
	s5 =	rddreg [dreg:$0x0]  }
0x2: {  	s0 =	stileid.u32;
	s2 =	rddreg [dreg:$0x1];
	s6 =	simm.s32 $0x1  }
0x3: {  	s9 =	simm.s32 $0x1;
	s10 =	simm.s32 $0x3;
	s1 =	sshll.u32 s1, $0x6  }
0x4: {  	s13 =	simm.s32 $0x0;
	s3 =	sshll.u32 s0, $0x7;
	s4 =	sand.u32 $0x40, s1  }
0x5: {  	s12 =	simm.s32 $0x0;
	s1 =	rddreg [dreg:$0x2];
	s3 =	sor.u32 s3, s4  }
0x6: {  	_ =	strace $0x80000050;
	s4 =	sadd.s32 $0x100000, s5;
	s8 =	ssub.s32 $0x1000, s3  }
.Ltmp0:
0x7: {  	s5 =	sadd.s32 $0x40000, s5;
	s7 =	sand.u32 $0x7C0, s8;
	(pc) =	sbr.rel .LBB2_1-.Ltmp0, $4  }
0x8: {  	[sflag:s6] =	ssyncpa.u1 $0x0;
	s11 =	smov.u32 s3;
	p0 =	sne.s32 s7, $0x0  }
0x9: {  	s8 =	sshrl.u32 s8, $0xB;
	s7 =	simm.s32 $0x2;
	s9 =	simm.s32 @!p0 $0x0  }
0xa: {  	[sflag:s7] =	ssyncpa.u1 $0x0;
	p0 =	por $0x0, $0x0;
	s8 =	sadd.s32 s9, s8  }
0xb: {  	vm0 =	vmmov $0xffff;
	[sflag:s10] =	ssyncpa.u1 $0x0;
	s10 =	simm.s32 $0x0;
	s9 =	sadd.s32 $0x1, s8  }
.LBB2_4:
0xc: {  	v5 =	vshrl.u32 v1, $0xC;
	v6 =	vshll.u32 v1, $0x7  }
0xd: {  	vm1 =	veq.s32 v1, $0x80000000;
	v58 =	vand.u32 $0x1F, v5;
	v59 =	vand.u32 $0x7FF80, v6  }
0xe: {  	v1 =	vsel vm1, $0xFFFFFFFF, v58;
	v5 =	vsel vm1, $0xFFFFFF80, v59  }
0xf: {  	v3 =	vor.u32 v4, v3;
	v60 =	vand.u32 $0xFFFFFC00, v5;
	v61 =	vand.u32 $0xFFFFFC00, v1  }
0x10: {  	v2 =	vor.u32 v2, v3;
	v63 =	vand.u32 $0x380, v5;
	v62 =	vadd.s32 v61, v60  }
0x11: {  	v1 =	vand.u32 $0x7F, v1;
	v3 =	vor.u32 v63, v62  }
0x12: {  	v1 =	vor.u32 v1, v3  }
0x13: {  	[tilespmem:s15], [sflag:$0x1] =	stream.indirect_vreg.gather [hbm4b:s4+s10], $0x1, v0, vm0, $0x4038;
	[tilespmem:$0x100] =	vst v63  }
0x14: {  	(ifvalue) =	ssetifvalue $0x7FFFFFFF  }
0x15: {  	[tilespmem:s16], [sflag:$0x1] =	stream.indirect_vreg.gather [hbm4b:s4+s10], $0x1, v2, vm0, $0x4038;
	[tilespmem:$0x100] =	vst v63  }
0x16: {  	s29 =	sadd.s32 $0x10, s16;
	(ifvalue) =	ssetifvalue $0x7FFFFFFF  }
0x17: {  	[tilespmem:s29], [sflag:$0x1] =	stream.indirect_vreg.gather [hbm4b:s4+s10], $0x1, v1, vm0, $0x4038;
	[tilespmem:$0x100] =	vst v63  }
0x18: {  	_ =	swait.ge [sflag:s6], $0x40  }
0x19: {  	s30 =	sshrl.u32 s13, $0x3;
	[sflag:s6] =	ssyncset.done $0x0  }
0x1a: {  	s31 =	sand.u32 $0x7, s13;
	s15 =	sadd.s32 s5, s30;
	[sflag:s6] =	ssyncadd.s32 $0xFFFFFFC0  }
0x1b: {  	[hbm4b:s15+s31] =	stream.linear.scatter [tilespmem:s14], [sflag:$0x3], $0x40, $0x38;
	[tilespmem:$0x100] =	vst v63  }
.LBB2_5:
0x1c: {  	s15 =	sadd.s32 $0x800, s11  }
0x1d: {  	p2 =	sgt.s32 s15, $0xFFF  }
0x1e: {  	s15 =	smov.u32 @p2 s3;
	p2 =	sne.s32 s12, s9  }
.Ltmp1:
0x1f: {  	p1 =	slt.u32 s12, $0x2;
	(pc) =	sbr.rel @!p2 .LBB2_6-.Ltmp1, $4  }
0x20: {  	s14 =	simm.s32 @!p1 $0x3  }
0x21: {  	s16 =	sadd.s32 $0x1, s12;
	_ =	swait.ge @!p1 [sflag:s14], $0x40  }
0x22: {  	s13 =	smov.u32 s11;
	p0 =	por !p0, !p0;
	[sflag:s14] =	ssyncset.done @!p1 $0x0  }
0x23: {  	s12 =	smov.u32 s16;
	s11 =	smov.u32 s15;
	[sflag:s14] =	ssyncadd.s32 @!p1 $0xFFFFFFC0  }
.LBB2_1:
0x24: {  	p1 =	sge.u32 s12, s8  }
0x25: {  	s14 =	sxor.u32 @!p1 $0xFFFFFFFF, s12  }
0x26: {  	s31 =	sadd.s32 $0xFFFFFFFF, s12;
	s15 =	sshrl.u32 @!p1 s11, $0x3;
	s14 =	sshll.u32 @!p1 s14, $0x6  }
0x27: {  	s16 =	sand.u32 @!p1 $0x7, s11;
	s15 =	sadd.s32 @!p1 s2, s15;
	s14 =	sand.u32 @!p1 $0x40, s14  }
0x28: {  	[tilespmem:s14], [sflag:$0x2] =	stream.linear.gather @!p1 [hbm4b:s15+s16], $0x40, $0x38;
	[tilespmem:$0x100] =	vst v63  }
0x29: {  	p1 =	sge.u32 s31, s8  }
.Ltmp2:
0x2a: {  	_ = 	snop;
	(pc) =	sbr.rel @p1 .LBB2_5-.Ltmp2, $1  }
0x2b: {  	_ =	sdelay $0x3  }
0x2c: {  	s14 =	simm.s32 $0x1  }
0x2d: {  	_ =	swait.ge [sflag:s7], $0x40;
	s14 =	simm.s32 @!p0 $0x0  }
0x2e: {  	[sflag:s7] =	ssyncset.done $0x0;
	s14 =	sshll.u32 s14, $0x6  }
0x2f: {  	[sflag:s7] =	ssyncadd.s32 $0xFFFFFFC0;
	(ifvalue) =	ssetifvalue $0x7FFFFFFF;
	v0 =	vld.msk [tilespmem:s14+$0x0 ss:$0x1], $0xffff;
	_ =	sdelay $0x4  }
0x30: {  	s15 =	sadd.s32 $0x10, s14;
	v2 =	vshrl.u32 v0, $0xC;
	v3 =	vshll.u32 v0, $0x7  }
0x31: {  	v1 =	vld.msk [tilespmem:s15+$0x0 ss:$0x1], $0xffff;
	vm1 =	veq.s32 v0, $0x80000000;
	v0 =	vand.u32 $0x1F, v2;
	v2 =	vand.u32 $0x7FF80, v3  }
0x32: {  	v0 =	vsel vm1, $0xFFFFFFFF, v0;
	v2 =	vsel vm1, $0xFFFFFF80, v2  }
0x33: {  	v3 =	vand.u32 $0xFFFFFC00, v2;
	v4 =	vand.u32 $0xFFFFFC00, v0  }
0x34: {  	v2 =	vand.u32 $0x380, v2;
	v3 =	vadd.s32 v4, v3  }
0x35: {  	v0 =	vand.u32 $0x7F, v0;
	v2 =	vor.u32 v2, v3  }
0x36: {  	v5 =	vshll.u32 v1, $0x7;
	v4 =	vshrl.u32 v1, $0xC;
	v0 =	vor.u32 v0, v2  }
0x37: {  	s16 =	sshll.u32 s12, $0x6;
	vm1 =	veq.s32 v1, $0x80000000;
	v1 =	vand.u32 $0x1F, v4;
	v4 =	vand.u32 $0x7FF80, v5  }
0x38: {  	s16 =	sand.u32 $0x40, s16;
	s18 =	sadd.s32 $0x10, s15;
	v3 =	vsel vm1, $0xFFFFFFFF, v1;
	v4 =	vsel vm1, $0xFFFFFF80, v4  }
0x39: {  	s17 =	simm.s32 $0x20;
	s15 =	sor.u32 $0x80, s14;
	s14 =	sor.u32 $0x80, s16;
	v1 =	vld.msk [tilespmem:s18+$0x0 ss:$0x1], $0xffff;
	v5 =	vand.u32 $0xFFFFFC00, v4;
	v6 =	vand.u32 $0xFFFFFC00, v3  }
0x3a: {  	s16 =	sadd.s32 $0x10, s15;
	s18 =	sadd.s32 $0x10, s18;
	(ifvalue) =	ssetifvalue $0x7FFFFFFF;
	v2 =	vand.u32 $0x7F, v3;
	v4 =	vand.u32 $0x380, v4;
	v3 =	vadd.s32 v6, v5  }
.LBB2_3:
0x3b: {  	[tilespmem:s15], [sflag:$0x1] =	stream.indirect_vreg.gather [hbm4b:s4+s10], $0x1, v0, vm0, $0x4038;
	[tilespmem:$0x100] =	vst v63  }
0x3c: {  	s17 =	sadd.s32 $0x10, s17  }
0x3d: {  	v3 =	vor.u32 v4, v3;
	p1 =	slt.u32 s17, $0x30  }
.Ltmp3:
0x3e: {  	v4 =	vshrl.u32 v1, $0xC;
	v5 =	vshll.u32 v1, $0x7;
	s15 =	smov.u32 s16;
	v0 =	vor.u32 v2, v3;
	v2 =	vmovc v1;
	v1 =	vld.msk [tilespmem:s18+$0x0 ss:$0x1], $0xffff;
	(pc) =	sbr.rel @p1 .LBB2_3-.Ltmp3, $4  }
0x3f: {  	v3 =	vand.u32 $0x7FF80, v5;
	vm1 =	veq.s32 v2, $0x80000000;
	v2 =	vand.u32 $0x1F, v4  }
0x40: {  	v4 =	vsel vm1, $0xFFFFFFFF, v2;
	v5 =	vsel vm1, $0xFFFFFF80, v3  }
0x41: {  	v2 =	vand.u32 $0x7F, v4;
	v3 =	vand.u32 $0xFFFFFC00, v5;
	v4 =	vand.u32 $0xFFFFFC00, v4  }
0x42: {  	s16 =	sadd.s32 $0x10, s16;
	s18 =	sadd.s32 $0x10, s18;
	v3 =	vadd.s32 v4, v3;
	v4 =	vand.u32 $0x380, v5;
	(ifvalue) =	ssetifvalue $0x7FFFFFFF  }
.Ltmp4:
0x43: {  	_ = 	snop;
	(pc) =	sbr.rel .LBB2_4-.Ltmp4, $1  }
0x44: {  	_ =	sdelay $0x3  }
.LBB2_6:
0x45: {  	_ =	sfence.sel $0x180000  }
0x46: {  	s2 =	simm.s32 $0x2;
	[bflag:$0x0] =	sbarrier.arrive $0xFFFF  }
0x47: {  	s30 =	simm.s32 $0x3;
	[sflag:s2] =	ssyncpa.u1 $0x1  }
0x48: {  	s31 =	simm.s32 $0x1;
	[sflag:s30] =	ssyncpa.u1 $0x1  }
0x49: {  	[sflag:s31] =	ssyncpa.u1 $0x1  }
0x4a: {  	p0 =	sne.s32 s0, $0x0;
	_ =	strace $0x90000050  }
0x4b: {  	s0 =	sadd.s32 @!p0 $0x100000, s1;
	[bflag:$0x2] =	sbarrier.arrive $0xFFFF  }
0x4c: {  	[sflag:s0] =	ssyncadd.tile.s32 @!p0 $0x1;
	_ =	shalt  }
.Lfunc_end2:
_tile_overlayer_lowered:
.L_overlay_start_2:
0x4d: {  	(tag) =	ssettag $0x2  }
0x4e: {  	s0 =	rddreg [dreg:$0x0];
	s2 =	stileid.u32  }
0x4f: {  	s1 =	rddreg [dreg:$0x1];
	p0 =	sne.s32 s2, $0x0  }
0x50: {  	s3 =	rddreg [dreg:$0x2];
	[bflag:$0x3] =	sbarrier.arrive $0xFFFF;
	s2 =	simm.s32 @!p0 $0x1C01  }
0x51: {  	[timem:s3], [sflag:s2] =	dma.local @!p0 [hbm:s0], s1  }
0x52: {  	s0 =	simm.s32 @!p0 $0x1  }
0x53: {  	_ =	swait.ge @!p0 [sflag:s0], s1  }
0x54: {  	s1 =	ssub.s32 @!p0 $0x0, s1;
	[sflag:s0] =	ssyncset.done @!p0 $0x0  }
0x55: {  	[sflag:s0] =	ssyncadd.s32 @!p0 s1  }
0x56: {  	[bflag:$0x3] =	sbarrier.arrive $0xFFFF  }
0x57: {  	_ =	shalt  }

// kernel: gather_offload_async_start.3
scs
__scs_entry_jumppad:
0x0: {  	(pc) =	sbr.rel $0x88, $3  }
0x1: {  	(tag) =	ssettag $0x0;
	lr =	simm.s32 $0x1  }
0x2: {  	[smem:$0x3F8E] =	sst lr;
	_ =	strace $0xD0000000  }
0x3: {  	_ = 	snop  }
0x4: {  	_ = 	snop  }
0x5: {  	_ = 	snop  }
0x6: {  	_ = 	snop  }
0x7: {  	_ = 	snop  }
__scs_overlays_trampoline_lowered:
0x8: {  	[smem:$0x3F9D] =	sst s0  }
0x9: {  	[smem:$0x3F9E] =	sst s1  }
0xa: {  	[smem:$0x3F9F] =	sst s2  }
0xb: {  	[smem:$0x3FA0] =	sst s3  }
0xc: {  	[smem:$0x3FA1] =	sst s4  }
0xd: {  	[smem:$0x3FA2] =	sst s5  }
0xe: {  	[smem:$0x3FA3] =	sst s6  }
0xf: {  	[smem:$0x3FA4] =	sst s7  }
0x10: {  	[smem:$0x3FA5] =	sst s8  }
0x11: {  	[smem:$0x3FA6] =	sst s9;
	s0 =	simm.s32 @!p0 $0x0  }
0x12: {  	s1 =	sld [smem:$0x3F8C];
	s0 =	simm.s32 @p0 $0x1  }
0x13: {  	[smem:$0x3FA7] =	sst s0;
	s0 =	simm.s32 @!p1 $0x0  }
0x14: {  	s2 =	sld [smem:$0x3F8B];
	s0 =	simm.s32 @p1 $0x1  }
0x15: {  	[smem:$0x3FA8] =	sst s0;
	s0 =	simm.s32 @!p2 $0x0  }
0x16: {  	s3 =	sld [smem:$0x3FDB];
	s0 =	simm.s32 @p2 $0x1  }
0x17: {  	s4 =	simm.s32 $0x1BF5;
	[smem:$0x3FAA] =	sst s0  }
0x18: {  	s0 =	sld [smem:$0x3F8D];
	_ =	swait.ge [sflag:s4], $0x0  }
0x19: {  	s7 =	sld [smem:$0x3F8E]  }
0x1a: {  	s8 =	sadd.s32 $0xFFFFE003, lr  }
0x1b: {  	s9 =	sadd.s32 $0xFFFFFEF7, lr;
	s5 =	simm.s32 $0xFFFFFFFF;
	p2 =	slt.u32 s8, $0xFFFFF086  }
0x1c: {  	p1 =	slt.u32 s9, $0xF7A;
	s5 =	simm.s32 @!p2 $0x0  }
0x1d: {  	s5 =	simm.s32 @p1 $0x1;
	p0 =	seq.s32 s7, s2  }
0x1e: {  	s7 =	smul.u32 @!p0 $0xF7A, s2;
	p2 =	seq.s32 @!p0 s5, $0x0  }
0x1f: {  	s9 =	smul.u32 $0xF7A, s1;
	s8 =	simm.s32 @!p0 $0x1BF5;
	p2 =	por !p2, p0  }
0x20: {  	[sflag:s8] =	ssyncset.s32 @!p0 $0xFFFFF086;
	s6 =	sadd.s32 @!p0 s3, s7;
	s7 =	simm.s32 @!p0 $0x108  }
0x21: {  	s3 =	sadd.s32 s3, s9;
	s6 =	sadd.s32 @!p0 $0x88, s6;
	s7 =	simm.s32 @p2 $0x1082  }
0x22: {  	[simem:s7], [sflag:s8] =	dma.local @!p0 [hbm:s6], $0xF7A  }
0x23: {  	s9 =	sor.u32 $0xD0000000, s2;
	s6 =	simm.s32 $0x108;
	_ =	swait.ge @!p0 [sflag:s8], $0x0  }
0x24: {  	s3 =	sadd.s32 $0x88, s3;
	s6 =	simm.s32 @!p1 $0x1082;
	[sflag:s4] =	ssyncset.s32 $0xFFFFF086  }
0x25: {  	[simem:s6], [sflag:s4] =	dma.local [hbm:s3], $0xF7A  }
0x26: {  	[smem:$0x3F8E] =	sst s1;
	(tag) =	ssettag s2;
	_ =	strace s9  }
0x27: {  	s1 =	sld [smem:$0x3F9E]  }
0x28: {  	s2 =	sld [smem:$0x3F9F]  }
0x29: {  	s4 =	sld [smem:$0x3FA1]  }
0x2a: {  	p0 =	seq.s32 s5, $0x0;
	s5 =	sld [smem:$0x3FA2]  }
0x2b: {  	s6 =	sld [smem:$0x3FA3]  }
0x2c: {  	s7 =	sld [smem:$0x3FA4]  }
0x2d: {  	s3 =	simm.s32 $0x108;
	s8 =	sld [smem:$0x3FA5]  }
0x2e: {  	s3 =	simm.s32 @!p0 $0x1082;
	s9 =	sld [smem:$0x3FA6]  }
0x2f: {  	lr =	sadd.s32 s0, s3;
	s0 =	sld [smem:$0x3F9D]  }
0x30: {  	s3 =	sld [smem:$0x3FA0]  }
0x31: {  	[smem:$0x3FA9] =	sst s10  }
0x32: {  	s10 =	sld [smem:$0x3FA7];
	_ =	sdelay $0x3  }
0x33: {  	p0 =	seq.s32 s10, $0x1;
	s10 =	sld [smem:$0x3FA9];
	_ =	sdelay $0x3  }
0x34: {  	[smem:$0x3FA9] =	sst s10  }
0x35: {  	s10 =	sld [smem:$0x3FA8];
	_ =	sdelay $0x3  }
0x36: {  	p1 =	seq.s32 s10, $0x1;
	s10 =	sld [smem:$0x3FA9];
	_ =	sdelay $0x3  }
0x37: {  	[smem:$0x3FA9] =	sst s10  }
0x38: {  	s10 =	sld [smem:$0x3FAA]  }
0x39: {  	_ = 	snop;
	(pc) =	sbr.ind lr, $3  }
0x3a: {  	_ = 	snop  }
0x3b: {  	_ = 	snop  }
0x3c: {  	p2 =	seq.s32 s10, $0x1;
	s10 =	sld [smem:$0x3FA9]  }
0x3d: {  	_ =	shalt  }
0x3e: {  	_ =	shalt  }
0x3f: {  	_ =	shalt  }
0x40: {  	_ =	shalt  }
0x41: {  	_ =	shalt  }
0x42: {  	_ =	shalt  }
0x43: {  	_ =	shalt  }
0x44: {  	_ =	shalt  }
0x45: {  	_ =	shalt  }
0x46: {  	_ =	shalt  }
0x47: {  	_ =	shalt  }
0x48: {  	_ =	shalt  }
0x49: {  	_ =	shalt  }
0x4a: {  	_ =	shalt  }
0x4b: {  	_ =	shalt  }
0x4c: {  	_ =	shalt  }
0x4d: {  	_ =	shalt  }
0x4e: {  	_ =	shalt  }
0x4f: {  	_ =	shalt  }
0x50: {  	_ =	shalt  }
0x51: {  	_ =	shalt  }
0x52: {  	_ =	shalt  }
0x53: {  	_ =	shalt  }
0x54: {  	_ =	shalt  }
0x55: {  	_ =	shalt  }
0x56: {  	_ =	shalt  }
0x57: {  	_ =	shalt  }
0x58: {  	_ =	shalt  }
0x59: {  	_ =	shalt  }
0x5a: {  	_ =	shalt  }
0x5b: {  	_ =	shalt  }
0x5c: {  	_ =	shalt  }
0x5d: {  	_ =	shalt  }
0x5e: {  	_ =	shalt  }
0x5f: {  	_ =	shalt  }
0x60: {  	_ =	shalt  }
0x61: {  	_ =	shalt  }
0x62: {  	_ =	shalt  }
0x63: {  	_ =	shalt  }
0x64: {  	_ =	shalt  }
0x65: {  	_ =	shalt  }
0x66: {  	_ =	shalt  }
0x67: {  	_ =	shalt  }
0x68: {  	_ =	shalt  }
0x69: {  	_ =	shalt  }
0x6a: {  	_ =	shalt  }
0x6b: {  	_ =	shalt  }
0x6c: {  	_ =	shalt  }
0x6d: {  	_ =	shalt  }
0x6e: {  	_ =	shalt  }
0x6f: {  	_ =	shalt  }
0x70: {  	_ =	shalt  }
0x71: {  	_ =	shalt  }
0x72: {  	_ =	shalt  }
0x73: {  	_ =	shalt  }
0x74: {  	_ =	shalt  }
0x75: {  	_ =	shalt  }
0x76: {  	_ =	shalt  }
0x77: {  	_ =	shalt  }
0x78: {  	_ =	shalt  }
0x79: {  	_ =	shalt  }
0x7a: {  	_ =	shalt  }
0x7b: {  	_ =	shalt  }
0x7c: {  	_ =	shalt  }
0x7d: {  	_ =	shalt  }
0x7e: {  	_ =	shalt  }
0x7f: {  	_ =	shalt  }
0x80: {  	_ =	shalt  }
0x81: {  	_ =	shalt  }
0x82: {  	_ =	shalt  }
0x83: {  	_ =	shalt  }
0x84: {  	_ =	shalt  }
0x85: {  	_ =	shalt  }
0x86: {  	_ =	shalt  }
0x87: {  	_ =	shalt  }
.Lfunc_end0:
.L_simem_size_0:
called_computation.3_lowered:
.L_overlay_start_0:
0x88: {  	s2 =	sld [smem:$0x3FD9]  }
0x89: {  	s3 =	sld [smem:$0x3FFE];
	_ =	sdelay $0x1  }
0x8a: {  	s1 =	srdreg.scid  }
0x8b: {  	s0 =	sand.u32 $0x1, s1  }
0x8c: {  	s15 =	sshll.u32 s0, $0xA;
	s2 =	sadd.s32 s3, s2  }
0x8d: {  	s2 =	sadd.s32 s2, s15  }
0x8e: {  	[smem:$0x3FB5] =	sst s2  }
0x8f: {  	_ = 	snop  }
0x90: {  	s2 =	sld [smem:$0x3FD0];
	_ =	sdelay $0x2  }
0x91: {  	s16 =	simm.s32 $0xB;
	s4 =	simm.s32 $0x10  }
0x92: {  	[smem:s4], [sflag:s16] =	dma.local [hbm:s2], $0x1  }
0x93: {  	_ =	swait.eq [sflag:s16], $0x1  }
0x94: {  	[sflag:s16] =	ssyncset.done $0x0  }
0x95: {  	[sflag:s16] =	ssyncadd.s32 $0xFFFFFFFF  }
0x96: {  	s17 =	sld [smem:$0x10];
	(tm) =	ssettm $0x1  }
0x97: {  	s18 =	sld [smem:$0x3FFB];
	_ =	sdelay $0x3  }
0x98: {  	_ =	strace s18  }
0x99: {  	s2 =	sld [smem:$0x3FFC];
	_ =	sdelay $0x3  }
0x9a: {  	_ =	strace s2  }
0x9b: {  	s2 =	sld [smem:$0x3FFD];
	_ =	sdelay $0x3  }
0x9c: {  	_ =	strace s2  }
0x9d: {  	_ =	strace $0x8FFFFFFF  }
0x9e: {  	s19 =	sld [smem:$0x3FDB];
	_ =	sdelay $0x1  }
0x9f: {  	s20 =	simm.s32 $_scs_section_size  }
0xa0: {  	s5 =	simm.s32 $_size__tile_overlayer_lowered;
	s6 =	simm.s32 $_tile_overlayer_lowered  }
0xa1: {  	s7 =	simm.s32 $0x1BFF;
	s21 =	sshll.u32 s6, $0x1;
	s4 =	sadd.s32 s20, s19  }
0xa2: {  	s22 =	simm.s32 $0x0;
	s5 =	sshll.u32 s5, $0x1;
	s6 =	sadd.s32 s21, s4  }
0xa3: {  	[timem:s22], [sflag:s7] =	dma.local [hbm:s6], s5  }
0xa4: {  	_ =	swait.ge [sflag:s7], s5  }
0xa5: {  	s5 =	ssub.s32 $0x0, s5;
	[sflag:s7] =	ssyncset.done $0x0  }
0xa6: {  	[sflag:s7] =	ssyncadd.s32 s5;
	_ =	sdelay $0x1  }
0xa7: {  	s23 =	simm.s32 $0x1B8B  }
0xa8: {  	_ =	swait.ge [sflag:s23], $0x1  }
0xa9: {  	[sflag:s23] =	ssyncset.done $0x0  }
0xaa: {  	[sflag:s23] =	ssyncadd.s32 $0xFFFFFFFF  }
0xab: {  	s5 =	sld [smem:$0x0]  }
0xac: {  	s6 =	sand.u32 $0xFFFFFFFE, s1  }
0xad: {  	p0 =	sne.s32 s1, s6  }
0xae: {  	s6 =	sshll.u32 @p0 s6, $0xE  }
0xaf: {  	s6 =	sadd.s32 @p0 $0x11B8D, s6;
	s7 =	sshll.u32 @p0 s5, $0x11  }
0xb0: {  	s6 =	sor.u32 @p0 s7, s6  }
0xb1: {  	[sflag:s6] =	ssyncadd.remote.s32 @p0 $0x1;
	_ =	sdelay $0x1  }
0xb2: {  	s6 =	simm.s32 @p0 $0x1B8D  }
0xb3: {  	_ =	swait.eq @p0 [sflag:s6], $0x1  }
0xb4: {  	[sflag:s6] =	ssyncadd.s32 @p0 $0xFFFFFFFF  }
0xb5: {  	s7 =	sshll.u32 @!p0 s1, $0xE  }
0xb6: {  	s7 =	sor.u32 @!p0 $0x4000, s7;
	s6 =	simm.s32 @!p0 $0x1B8D  }
0xb7: {  	s5 =	sshll.u32 @!p0 s5, $0x11;
	s7 =	sadd.s32 @!p0 $0x11B8D, s7;
	_ =	swait.eq @!p0 [sflag:s6], $0x1  }
0xb8: {  	s5 =	sor.u32 @!p0 s5, s7;
	[sflag:s6] =	ssyncadd.s32 @!p0 $0xFFFFFFFF  }
0xb9: {  	s25 =	simm.s32 $0x1B8E;
	s24 =	sld [smem:$0x3FFE];
	[sflag:s5] =	ssyncadd.remote.s32 @!p0 $0x1  }
0xba: {  	s26 =	simm.s32 $execute0_lowered;
	[smem:$0x3FD2] =	sst s25  }
0xbb: {  	s6 =	sshll.u32 s26, $0x1;
	_ =	strace $0x80000052;
	[dreg:$0x1] =	wrdreg $0xFFFFFFFF  }
0xbc: {  	s28 =	simm.s32 $_size_execute0_lowered;
	s4 =	sadd.s32 s4, s6;
	[dreg:$0x0] =	wrdreg $0x0  }
0xbd: {  	s6 =	sshll.u32 s28, $0x1;
	[dreg:$0x2] =	wrdreg s4  }
0xbe: {  	[dreg:$0x3] =	wrdreg s6  }
0xbf: {  	[dreg:$0x4] =	wrdreg $0xC0  }
0xc0: {  	_ =	task [dreg:s22], $0x5FFFF  }
0xc1: {  	[dreg:$0x1] =	wrdreg $0xFFFFFFFF  }
0xc2: {  	[dreg:$0x0] =	wrdreg $0x60  }
0xc3: {  	[dreg:$0x2] =	wrdreg s24  }
0xc4: {  	[dreg:$0x3] =	wrdreg s17  }
0xc5: {  	[dreg:$0x4] =	wrdreg $0xA  }
0xc6: {  	_ =	task.clear_ibuf [dreg:s22], $0x5FFFF;
	_ =	strace $0x90000052  }
0xc7: {  	s29 =	simm.s32 $0xA;
	_ =	strace $0x80000054  }
0xc8: {  	_ =	swait.ge [sflag:s29], $0x1  }
0xc9: {  	[sflag:s29] =	ssyncadd.s32 $0xFFFFFFFF  }
0xca: {  	_ =	strace $0x90000054  }
0xcb: {  	_ =	sfence  }
0xcc: {  	s30 =	sld [smem:$0x0];
	_ =	sdelay $0x2  }
0xcd: {  	s31 =	sshll.u32 s1, $0xD;
	s1 =	sshrl.u32 s1, $0x2  }
0xce: {  	s4 =	sand.u32 $0x4000, s31;
	s1 =	sadd.s32 s1, s30  }
0xcf: {  	s0 =	sor.u32 s4, s0;
	s1 =	sshll.u32 s1, $0x11  }
0xd0: {  	s0 =	sor.u32 s1, s0  }
0xd1: {  	s0 =	sadd.s32 $0x8F2B, s0  }
0xd2: {  	[sflag:s0] =	ssyncadd.remote.s32 $0x1  }
0xd3: {  	_ =	sfence.sel $0xFFFF  }
0xd4: {  	[dreg:$0x0] =	wrdreg $0xFFFFFFFF;
	(pc) =	sbr.abs _section_cstart, $3  }
0xd5: {  	[dreg:$0x1] =	wrdreg $0xFFFFFFFF  }
0xd6: {  	_ =	task.clear_ibuf [dreg:s22], $0x2FFFF;
	_ =	strace $0x9FFFFFFF  }
0xd7: {  	(tm) =	ssettm $0x7FFFFFFF  }
tec
execute0_lowered:
.L_overlay_start_1:
0x0: {  	(tag) =	ssettag $0x1  }
0x1: {  	s1 =	srdreg.scid;
	s5 =	rddreg [dreg:$0x0]  }
0x2: {  	s0 =	stileid.u32;
	s2 =	rddreg [dreg:$0x1];
	s6 =	simm.s32 $0x1  }
0x3: {  	s9 =	simm.s32 $0x1;
	s10 =	simm.s32 $0x3;
	s1 =	sshll.u32 s1, $0x6  }
0x4: {  	s13 =	simm.s32 $0x0;
	s3 =	sshll.u32 s0, $0x7;
	s4 =	sand.u32 $0x40, s1  }
0x5: {  	s12 =	simm.s32 $0x0;
	s1 =	rddreg [dreg:$0x2];
	s3 =	sor.u32 s3, s4  }
0x6: {  	_ =	strace $0x80000053;
	s4 =	sadd.s32 $0x100000, s5;
	s8 =	ssub.s32 $0x1000, s3  }
.Ltmp0:
0x7: {  	s5 =	sadd.s32 $0x40200, s5;
	s7 =	sand.u32 $0x7C0, s8;
	(pc) =	sbr.rel .LBB2_1-.Ltmp0, $4  }
0x8: {  	[sflag:s6] =	ssyncpa.u1 $0x0;
	s11 =	smov.u32 s3;
	p0 =	sne.s32 s7, $0x0  }
0x9: {  	s8 =	sshrl.u32 s8, $0xB;
	s7 =	simm.s32 $0x2;
	s9 =	simm.s32 @!p0 $0x0  }
0xa: {  	[sflag:s7] =	ssyncpa.u1 $0x0;
	p0 =	por $0x0, $0x0;
	s8 =	sadd.s32 s9, s8  }
0xb: {  	vm0 =	vmmov $0xffff;
	[sflag:s10] =	ssyncpa.u1 $0x0;
	s10 =	simm.s32 $0x0;
	s9 =	sadd.s32 $0x1, s8  }
.LBB2_4:
0xc: {  	v5 =	vshrl.u32 v1, $0xC;
	v6 =	vshll.u32 v1, $0x7  }
0xd: {  	vm1 =	veq.s32 v1, $0x80000000;
	v58 =	vand.u32 $0x1F, v5;
	v59 =	vand.u32 $0x7FF80, v6  }
0xe: {  	v1 =	vsel vm1, $0xFFFFFFFF, v58;
	v5 =	vsel vm1, $0xFFFFFF80, v59  }
0xf: {  	v3 =	vor.u32 v4, v3;
	v60 =	vand.u32 $0xFFFFFC00, v5;
	v61 =	vand.u32 $0xFFFFFC00, v1  }
0x10: {  	v2 =	vor.u32 v2, v3;
	v63 =	vand.u32 $0x380, v5;
	v62 =	vadd.s32 v61, v60  }
0x11: {  	v1 =	vand.u32 $0x7F, v1;
	v3 =	vor.u32 v63, v62  }
0x12: {  	v1 =	vor.u32 v1, v3  }
0x13: {  	[tilespmem:s15], [sflag:$0x1] =	stream.indirect_vreg.gather [hbm4b:s4+s10], $0x1, v0, vm0, $0x4038;
	[tilespmem:$0x100] =	vst v63  }
0x14: {  	(ifvalue) =	ssetifvalue $0x7FFFFFFF  }
0x15: {  	[tilespmem:s16], [sflag:$0x1] =	stream.indirect_vreg.gather [hbm4b:s4+s10], $0x1, v2, vm0, $0x4038;
	[tilespmem:$0x100] =	vst v63  }
0x16: {  	s29 =	sadd.s32 $0x10, s16;
	(ifvalue) =	ssetifvalue $0x7FFFFFFF  }
0x17: {  	[tilespmem:s29], [sflag:$0x1] =	stream.indirect_vreg.gather [hbm4b:s4+s10], $0x1, v1, vm0, $0x4038;
	[tilespmem:$0x100] =	vst v63  }
0x18: {  	_ =	swait.ge [sflag:s6], $0x40  }
0x19: {  	s30 =	sshrl.u32 s13, $0x3;
	[sflag:s6] =	ssyncset.done $0x0  }
0x1a: {  	s31 =	sand.u32 $0x7, s13;
	s15 =	sadd.s32 s5, s30;
	[sflag:s6] =	ssyncadd.s32 $0xFFFFFFC0  }
0x1b: {  	[hbm4b:s15+s31] =	stream.linear.scatter [tilespmem:s14], [sflag:$0x3], $0x40, $0x38;
	[tilespmem:$0x100] =	vst v63  }
.LBB2_5:
0x1c: {  	s15 =	sadd.s32 $0x800, s11  }
0x1d: {  	p2 =	sgt.s32 s15, $0xFFF  }
0x1e: {  	s15 =	smov.u32 @p2 s3;
	p2 =	sne.s32 s12, s9  }
.Ltmp1:
0x1f: {  	p1 =	slt.u32 s12, $0x2;
	(pc) =	sbr.rel @!p2 .LBB2_6-.Ltmp1, $4  }
0x20: {  	s14 =	simm.s32 @!p1 $0x3  }
0x21: {  	s16 =	sadd.s32 $0x1, s12;
	_ =	swait.ge @!p1 [sflag:s14], $0x40  }
0x22: {  	s13 =	smov.u32 s11;
	p0 =	por !p0, !p0;
	[sflag:s14] =	ssyncset.done @!p1 $0x0  }
0x23: {  	s12 =	smov.u32 s16;
	s11 =	smov.u32 s15;
	[sflag:s14] =	ssyncadd.s32 @!p1 $0xFFFFFFC0  }
.LBB2_1:
0x24: {  	p1 =	sge.u32 s12, s8  }
0x25: {  	s14 =	sxor.u32 @!p1 $0xFFFFFFFF, s12  }
0x26: {  	s31 =	sadd.s32 $0xFFFFFFFF, s12;
	s15 =	sshrl.u32 @!p1 s11, $0x3;
	s14 =	sshll.u32 @!p1 s14, $0x6  }
0x27: {  	s16 =	sand.u32 @!p1 $0x7, s11;
	s15 =	sadd.s32 @!p1 s2, s15;
	s14 =	sand.u32 @!p1 $0x40, s14  }
0x28: {  	[tilespmem:s14], [sflag:$0x2] =	stream.linear.gather @!p1 [hbm4b:s15+s16], $0x40, $0x38;
	[tilespmem:$0x100] =	vst v63  }
0x29: {  	p1 =	sge.u32 s31, s8  }
.Ltmp2:
0x2a: {  	_ = 	snop;
	(pc) =	sbr.rel @p1 .LBB2_5-.Ltmp2, $1  }
0x2b: {  	_ =	sdelay $0x3  }
0x2c: {  	s14 =	simm.s32 $0x1  }
0x2d: {  	_ =	swait.ge [sflag:s7], $0x40;
	s14 =	simm.s32 @!p0 $0x0  }
0x2e: {  	[sflag:s7] =	ssyncset.done $0x0;
	s14 =	sshll.u32 s14, $0x6  }
0x2f: {  	[sflag:s7] =	ssyncadd.s32 $0xFFFFFFC0;
	(ifvalue) =	ssetifvalue $0x7FFFFFFF;
	v0 =	vld.msk [tilespmem:s14+$0x0 ss:$0x1], $0xffff;
	_ =	sdelay $0x4  }
0x30: {  	s15 =	sadd.s32 $0x10, s14;
	v2 =	vshrl.u32 v0, $0xC;
	v3 =	vshll.u32 v0, $0x7  }
0x31: {  	v1 =	vld.msk [tilespmem:s15+$0x0 ss:$0x1], $0xffff;
	vm1 =	veq.s32 v0, $0x80000000;
	v0 =	vand.u32 $0x1F, v2;
	v2 =	vand.u32 $0x7FF80, v3  }
0x32: {  	v0 =	vsel vm1, $0xFFFFFFFF, v0;
	v2 =	vsel vm1, $0xFFFFFF80, v2  }
0x33: {  	v3 =	vand.u32 $0xFFFFFC00, v2;
	v4 =	vand.u32 $0xFFFFFC00, v0  }
0x34: {  	v2 =	vand.u32 $0x380, v2;
	v3 =	vadd.s32 v4, v3  }
0x35: {  	v0 =	vand.u32 $0x7F, v0;
	v2 =	vor.u32 v2, v3  }
0x36: {  	v5 =	vshll.u32 v1, $0x7;
	v4 =	vshrl.u32 v1, $0xC;
	v0 =	vor.u32 v0, v2  }
0x37: {  	s16 =	sshll.u32 s12, $0x6;
	vm1 =	veq.s32 v1, $0x80000000;
	v1 =	vand.u32 $0x1F, v4;
	v4 =	vand.u32 $0x7FF80, v5  }
0x38: {  	s16 =	sand.u32 $0x40, s16;
	s18 =	sadd.s32 $0x10, s15;
	v3 =	vsel vm1, $0xFFFFFFFF, v1;
	v4 =	vsel vm1, $0xFFFFFF80, v4  }
0x39: {  	s17 =	simm.s32 $0x20;
	s15 =	sor.u32 $0x80, s14;
	s14 =	sor.u32 $0x80, s16;
	v1 =	vld.msk [tilespmem:s18+$0x0 ss:$0x1], $0xffff;
	v5 =	vand.u32 $0xFFFFFC00, v4;
	v6 =	vand.u32 $0xFFFFFC00, v3  }
0x3a: {  	s16 =	sadd.s32 $0x10, s15;
	s18 =	sadd.s32 $0x10, s18;
	(ifvalue) =	ssetifvalue $0x7FFFFFFF;
	v2 =	vand.u32 $0x7F, v3;
	v4 =	vand.u32 $0x380, v4;
	v3 =	vadd.s32 v6, v5  }
.LBB2_3:
0x3b: {  	[tilespmem:s15], [sflag:$0x1] =	stream.indirect_vreg.gather [hbm4b:s4+s10], $0x1, v0, vm0, $0x4038;
	[tilespmem:$0x100] =	vst v63  }
0x3c: {  	s17 =	sadd.s32 $0x10, s17  }
0x3d: {  	v3 =	vor.u32 v4, v3;
	p1 =	slt.u32 s17, $0x30  }
.Ltmp3:
0x3e: {  	v4 =	vshrl.u32 v1, $0xC;
	v5 =	vshll.u32 v1, $0x7;
	s15 =	smov.u32 s16;
	v0 =	vor.u32 v2, v3;
	v2 =	vmovc v1;
	v1 =	vld.msk [tilespmem:s18+$0x0 ss:$0x1], $0xffff;
	(pc) =	sbr.rel @p1 .LBB2_3-.Ltmp3, $4  }
0x3f: {  	v3 =	vand.u32 $0x7FF80, v5;
	vm1 =	veq.s32 v2, $0x80000000;
	v2 =	vand.u32 $0x1F, v4  }
0x40: {  	v4 =	vsel vm1, $0xFFFFFFFF, v2;
	v5 =	vsel vm1, $0xFFFFFF80, v3  }
0x41: {  	v2 =	vand.u32 $0x7F, v4;
	v3 =	vand.u32 $0xFFFFFC00, v5;
	v4 =	vand.u32 $0xFFFFFC00, v4  }
0x42: {  	s16 =	sadd.s32 $0x10, s16;
	s18 =	sadd.s32 $0x10, s18;
	v3 =	vadd.s32 v4, v3;
	v4 =	vand.u32 $0x380, v5;
	(ifvalue) =	ssetifvalue $0x7FFFFFFF  }
.Ltmp4:
0x43: {  	_ = 	snop;
	(pc) =	sbr.rel .LBB2_4-.Ltmp4, $1  }
0x44: {  	_ =	sdelay $0x3  }
.LBB2_6:
0x45: {  	_ =	sfence.sel $0x180000  }
0x46: {  	s2 =	simm.s32 $0x2;
	[bflag:$0x0] =	sbarrier.arrive $0xFFFF  }
0x47: {  	s30 =	simm.s32 $0x3;
	[sflag:s2] =	ssyncpa.u1 $0x1  }
0x48: {  	s31 =	simm.s32 $0x1;
	[sflag:s30] =	ssyncpa.u1 $0x1  }
0x49: {  	[sflag:s31] =	ssyncpa.u1 $0x1  }
0x4a: {  	p0 =	sne.s32 s0, $0x0;
	_ =	strace $0x90000053  }
0x4b: {  	s0 =	sadd.s32 @!p0 $0x100000, s1;
	[bflag:$0x2] =	sbarrier.arrive $0xFFFF  }
0x4c: {  	[sflag:s0] =	ssyncadd.tile.s32 @!p0 $0x1;
	_ =	shalt  }
.Lfunc_end2:
_tile_overlayer_lowered:
.L_overlay_start_2:
0x4d: {  	(tag) =	ssettag $0x2  }
0x4e: {  	s0 =	rddreg [dreg:$0x0];
	s2 =	stileid.u32  }
0x4f: {  	s1 =	rddreg [dreg:$0x1];
	p0 =	sne.s32 s2, $0x0  }
0x50: {  	s3 =	rddreg [dreg:$0x2];
	[bflag:$0x3] =	sbarrier.arrive $0xFFFF;
	s2 =	simm.s32 @!p0 $0x1C01  }
0x51: {  	[timem:s3], [sflag:s2] =	dma.local @!p0 [hbm:s0], s1  }
0x52: {  	s0 =	simm.s32 @!p0 $0x1  }
0x53: {  	_ =	swait.ge @!p0 [sflag:s0], s1  }
0x54: {  	s1 =	ssub.s32 @!p0 $0x0, s1;
	[sflag:s0] =	ssyncset.done @!p0 $0x0  }
0x55: {  	[sflag:s0] =	ssyncadd.s32 @!p0 s1  }
0x56: {  	[bflag:$0x3] =	sbarrier.arrive $0xFFFF  }
0x57: {  	_ =	shalt  }

// kernel: gather_offload_async_start
scs
__scs_entry_jumppad:
0x0: {  	(pc) =	sbr.rel $0x88, $3  }
0x1: {  	(tag) =	ssettag $0x0;
	lr =	simm.s32 $0x1  }
0x2: {  	[smem:$0x3F8E] =	sst lr;
	_ =	strace $0xD0000000  }
0x3: {  	_ = 	snop  }
0x4: {  	_ = 	snop  }
0x5: {  	_ = 	snop  }
0x6: {  	_ = 	snop  }
0x7: {  	_ = 	snop  }
__scs_overlays_trampoline_lowered:
0x8: {  	[smem:$0x3F9D] =	sst s0  }
0x9: {  	[smem:$0x3F9E] =	sst s1  }
0xa: {  	[smem:$0x3F9F] =	sst s2  }
0xb: {  	[smem:$0x3FA0] =	sst s3  }
0xc: {  	[smem:$0x3FA1] =	sst s4  }
0xd: {  	[smem:$0x3FA2] =	sst s5  }
0xe: {  	[smem:$0x3FA3] =	sst s6  }
0xf: {  	[smem:$0x3FA4] =	sst s7  }
0x10: {  	[smem:$0x3FA5] =	sst s8  }
0x11: {  	[smem:$0x3FA6] =	sst s9;
	s0 =	simm.s32 @!p0 $0x0  }
0x12: {  	s1 =	sld [smem:$0x3F8C];
	s0 =	simm.s32 @p0 $0x1  }
0x13: {  	[smem:$0x3FA7] =	sst s0;
	s0 =	simm.s32 @!p1 $0x0  }
0x14: {  	s2 =	sld [smem:$0x3F8B];
	s0 =	simm.s32 @p1 $0x1  }
0x15: {  	[smem:$0x3FA8] =	sst s0;
	s0 =	simm.s32 @!p2 $0x0  }
0x16: {  	s3 =	sld [smem:$0x3FDB];
	s0 =	simm.s32 @p2 $0x1  }
0x17: {  	s4 =	simm.s32 $0x1BF5;
	[smem:$0x3FAA] =	sst s0  }
0x18: {  	s0 =	sld [smem:$0x3F8D];
	_ =	swait.ge [sflag:s4], $0x0  }
0x19: {  	s7 =	sld [smem:$0x3F8E]  }
0x1a: {  	s8 =	sadd.s32 $0xFFFFE003, lr  }
0x1b: {  	s9 =	sadd.s32 $0xFFFFFEF7, lr;
	s5 =	simm.s32 $0xFFFFFFFF;
	p2 =	slt.u32 s8, $0xFFFFF086  }
0x1c: {  	p1 =	slt.u32 s9, $0xF7A;
	s5 =	simm.s32 @!p2 $0x0  }
0x1d: {  	s5 =	simm.s32 @p1 $0x1;
	p0 =	seq.s32 s7, s2  }
0x1e: {  	s7 =	smul.u32 @!p0 $0xF7A, s2;
	p2 =	seq.s32 @!p0 s5, $0x0  }
0x1f: {  	s9 =	smul.u32 $0xF7A, s1;
	s8 =	simm.s32 @!p0 $0x1BF5;
	p2 =	por !p2, p0  }
0x20: {  	[sflag:s8] =	ssyncset.s32 @!p0 $0xFFFFF086;
	s6 =	sadd.s32 @!p0 s3, s7;
	s7 =	simm.s32 @!p0 $0x108  }
0x21: {  	s3 =	sadd.s32 s3, s9;
	s6 =	sadd.s32 @!p0 $0x88, s6;
	s7 =	simm.s32 @p2 $0x1082  }
0x22: {  	[simem:s7], [sflag:s8] =	dma.local @!p0 [hbm:s6], $0xF7A  }
0x23: {  	s9 =	sor.u32 $0xD0000000, s2;
	s6 =	simm.s32 $0x108;
	_ =	swait.ge @!p0 [sflag:s8], $0x0  }
0x24: {  	s3 =	sadd.s32 $0x88, s3;
	s6 =	simm.s32 @!p1 $0x1082;
	[sflag:s4] =	ssyncset.s32 $0xFFFFF086  }
0x25: {  	[simem:s6], [sflag:s4] =	dma.local [hbm:s3], $0xF7A  }
0x26: {  	[smem:$0x3F8E] =	sst s1;
	(tag) =	ssettag s2;
	_ =	strace s9  }
0x27: {  	s1 =	sld [smem:$0x3F9E]  }
0x28: {  	s2 =	sld [smem:$0x3F9F]  }
0x29: {  	s4 =	sld [smem:$0x3FA1]  }
0x2a: {  	p0 =	seq.s32 s5, $0x0;
	s5 =	sld [smem:$0x3FA2]  }
0x2b: {  	s6 =	sld [smem:$0x3FA3]  }
0x2c: {  	s7 =	sld [smem:$0x3FA4]  }
0x2d: {  	s3 =	simm.s32 $0x108;
	s8 =	sld [smem:$0x3FA5]  }
0x2e: {  	s3 =	simm.s32 @!p0 $0x1082;
	s9 =	sld [smem:$0x3FA6]  }
0x2f: {  	lr =	sadd.s32 s0, s3;
	s0 =	sld [smem:$0x3F9D]  }
0x30: {  	s3 =	sld [smem:$0x3FA0]  }
0x31: {  	[smem:$0x3FA9] =	sst s10  }
0x32: {  	s10 =	sld [smem:$0x3FA7];
	_ =	sdelay $0x3  }
0x33: {  	p0 =	seq.s32 s10, $0x1;
	s10 =	sld [smem:$0x3FA9];
	_ =	sdelay $0x3  }
0x34: {  	[smem:$0x3FA9] =	sst s10  }
0x35: {  	s10 =	sld [smem:$0x3FA8];
	_ =	sdelay $0x3  }
0x36: {  	p1 =	seq.s32 s10, $0x1;
	s10 =	sld [smem:$0x3FA9];
	_ =	sdelay $0x3  }
0x37: {  	[smem:$0x3FA9] =	sst s10  }
0x38: {  	s10 =	sld [smem:$0x3FAA]  }
0x39: {  	_ = 	snop;
	(pc) =	sbr.ind lr, $3  }
0x3a: {  	_ = 	snop  }
0x3b: {  	_ = 	snop  }
0x3c: {  	p2 =	seq.s32 s10, $0x1;
	s10 =	sld [smem:$0x3FA9]  }
0x3d: {  	_ =	shalt  }
0x3e: {  	_ =	shalt  }
0x3f: {  	_ =	shalt  }
0x40: {  	_ =	shalt  }
0x41: {  	_ =	shalt  }
0x42: {  	_ =	shalt  }
0x43: {  	_ =	shalt  }
0x44: {  	_ =	shalt  }
0x45: {  	_ =	shalt  }
0x46: {  	_ =	shalt  }
0x47: {  	_ =	shalt  }
0x48: {  	_ =	shalt  }
0x49: {  	_ =	shalt  }
0x4a: {  	_ =	shalt  }
0x4b: {  	_ =	shalt  }
0x4c: {  	_ =	shalt  }
0x4d: {  	_ =	shalt  }
0x4e: {  	_ =	shalt  }
0x4f: {  	_ =	shalt  }
0x50: {  	_ =	shalt  }
0x51: {  	_ =	shalt  }
0x52: {  	_ =	shalt  }
0x53: {  	_ =	shalt  }
0x54: {  	_ =	shalt  }
0x55: {  	_ =	shalt  }
0x56: {  	_ =	shalt  }
0x57: {  	_ =	shalt  }
0x58: {  	_ =	shalt  }
0x59: {  	_ =	shalt  }
0x5a: {  	_ =	shalt  }
0x5b: {  	_ =	shalt  }
0x5c: {  	_ =	shalt  }
0x5d: {  	_ =	shalt  }
0x5e: {  	_ =	shalt  }
0x5f: {  	_ =	shalt  }
0x60: {  	_ =	shalt  }
0x61: {  	_ =	shalt  }
0x62: {  	_ =	shalt  }
0x63: {  	_ =	shalt  }
0x64: {  	_ =	shalt  }
0x65: {  	_ =	shalt  }
0x66: {  	_ =	shalt  }
0x67: {  	_ =	shalt  }
0x68: {  	_ =	shalt  }
0x69: {  	_ =	shalt  }
0x6a: {  	_ =	shalt  }
0x6b: {  	_ =	shalt  }
0x6c: {  	_ =	shalt  }
0x6d: {  	_ =	shalt  }
0x6e: {  	_ =	shalt  }
0x6f: {  	_ =	shalt  }
0x70: {  	_ =	shalt  }
0x71: {  	_ =	shalt  }
0x72: {  	_ =	shalt  }
0x73: {  	_ =	shalt  }
0x74: {  	_ =	shalt  }
0x75: {  	_ =	shalt  }
0x76: {  	_ =	shalt  }
0x77: {  	_ =	shalt  }
0x78: {  	_ =	shalt  }
0x79: {  	_ =	shalt  }
0x7a: {  	_ =	shalt  }
0x7b: {  	_ =	shalt  }
0x7c: {  	_ =	shalt  }
0x7d: {  	_ =	shalt  }
0x7e: {  	_ =	shalt  }
0x7f: {  	_ =	shalt  }
0x80: {  	_ =	shalt  }
0x81: {  	_ =	shalt  }
0x82: {  	_ =	shalt  }
0x83: {  	_ =	shalt  }
0x84: {  	_ =	shalt  }
0x85: {  	_ =	shalt  }
0x86: {  	_ =	shalt  }
0x87: {  	_ =	shalt  }
.Lfunc_end0:
.L_simem_size_0:
called_computation_lowered:
.L_overlay_start_0:
0x88: {  	s2 =	sld [smem:$0x3FD9]  }
0x89: {  	s3 =	sld [smem:$0x3FFE];
	_ =	sdelay $0x1  }
0x8a: {  	s1 =	srdreg.scid  }
0x8b: {  	s0 =	sand.u32 $0x1, s1  }
0x8c: {  	s16 =	sshll.u32 s0, $0xA;
	s2 =	sadd.s32 s3, s2  }
0x8d: {  	s2 =	sadd.s32 s2, s16  }
0x8e: {  	[smem:$0x3FB5] =	sst s2  }
0x8f: {  	_ = 	snop  }
0x90: {  	(tm) =	ssettm $0x1  }
0x91: {  	s17 =	sld [smem:$0x3FFB];
	_ =	sdelay $0x3  }
0x92: {  	_ =	strace s17  }
0x93: {  	s2 =	sld [smem:$0x3FFC];
	_ =	sdelay $0x3  }
0x94: {  	_ =	strace s2  }
0x95: {  	s2 =	sld [smem:$0x3FFD];
	_ =	sdelay $0x3  }
0x96: {  	_ =	strace s2  }
0x97: {  	_ =	strace $0x8FFFFFFF  }
0x98: {  	s18 =	sld [smem:$0x3FDB];
	_ =	sdelay $0x1  }
0x99: {  	s19 =	simm.s32 $_scs_section_size  }
0x9a: {  	s4 =	simm.s32 $_size__tile_overlayer_lowered;
	s5 =	simm.s32 $_tile_overlayer_lowered  }
0x9b: {  	s22 =	simm.s32 $0x1BFF;
	s21 =	sshll.u32 s5, $0x1;
	s2 =	sadd.s32 s19, s18  }
0x9c: {  	s6 =	simm.s32 $0x0;
	s20 =	sshll.u32 s4, $0x1;
	s4 =	sadd.s32 s21, s2  }
0x9d: {  	[timem:s6], [sflag:s22] =	dma.local [hbm:s4], s20  }
0x9e: {  	_ =	swait.ge [sflag:s22], s20  }
0x9f: {  	s3 =	ssub.s32 $0x0, s20;
	[sflag:s22] =	ssyncset.done $0x0  }
0xa0: {  	[sflag:s22] =	ssyncadd.s32 s3;
	_ =	sdelay $0x1  }
0xa1: {  	s23 =	simm.s32 $0x1B8B  }
0xa2: {  	_ =	swait.ge [sflag:s23], $0x1  }
0xa3: {  	[sflag:s23] =	ssyncset.done $0x0  }
0xa4: {  	s25 =	simm.s32 $0x1B8E;
	s24 =	sld [smem:$0x3FFE];
	[sflag:s23] =	ssyncadd.s32 $0xFFFFFFFF  }
0xa5: {  	s26 =	simm.s32 $execute0_lowered;
	[smem:$0x3FD2] =	sst s25  }
0xa6: {  	s4 =	sshll.u32 s26, $0x1;
	_ =	strace $0x80000049;
	[dreg:$0x1] =	wrdreg $0xFFFFFFFF  }
0xa7: {  	s28 =	simm.s32 $_size_execute0_lowered;
	s2 =	sadd.s32 s2, s4;
	[dreg:$0x0] =	wrdreg $0x0  }
0xa8: {  	s4 =	sshll.u32 s28, $0x1;
	[dreg:$0x2] =	wrdreg s2  }
0xa9: {  	[dreg:$0x3] =	wrdreg s4  }
0xaa: {  	[dreg:$0x4] =	wrdreg $0xC0  }
0xab: {  	_ =	task [dreg:s6], $0x5FFFF  }
0xac: {  	[dreg:$0x1] =	wrdreg $0xFFFFFFFF  }
0xad: {  	[dreg:$0x0] =	wrdreg $0x60  }
0xae: {  	[dreg:$0x2] =	wrdreg s24  }
0xaf: {  	[dreg:$0x3] =	wrdreg $0x9  }
0xb0: {  	_ =	task.clear_ibuf [dreg:s6], $0x4FFFF;
	_ =	strace $0x90000049  }
0xb1: {  	s29 =	simm.s32 $0x9;
	_ =	strace $0x8000004B  }
0xb2: {  	_ =	swait.ge [sflag:s29], $0x1  }
0xb3: {  	[sflag:s29] =	ssyncadd.s32 $0xFFFFFFFF  }
0xb4: {  	_ =	strace $0x9000004B  }
0xb5: {  	_ =	sfence  }
0xb6: {  	s30 =	sld [smem:$0x0];
	_ =	sdelay $0x2  }
0xb7: {  	s31 =	sshll.u32 s1, $0xD;
	s1 =	sshrl.u32 s1, $0x2  }
0xb8: {  	s3 =	sand.u32 $0x4000, s31;
	s1 =	sadd.s32 s1, s30  }
0xb9: {  	s0 =	sor.u32 s3, s0;
	s1 =	sshll.u32 s1, $0x11  }
0xba: {  	s0 =	sor.u32 s1, s0  }
0xbb: {  	s0 =	sadd.s32 $0x8F2B, s0  }
0xbc: {  	[sflag:s0] =	ssyncadd.remote.s32 $0x1  }
0xbd: {  	_ =	sfence.sel $0xFFFF  }
0xbe: {  	[dreg:$0x0] =	wrdreg $0xFFFFFFFF;
	(pc) =	sbr.abs _section_cstart, $3  }
0xbf: {  	[dreg:$0x1] =	wrdreg $0xFFFFFFFF  }
0xc0: {  	_ =	task.clear_ibuf [dreg:s6], $0x2FFFF;
	_ =	strace $0x9FFFFFFF  }
0xc1: {  	(tm) =	ssettm $0x7FFFFFFF  }
tec
execute0_lowered:
.L_overlay_start_1:
0x0: {  	(tag) =	ssettag $0x1  }
0x1: {  	s0 =	srdreg.scid;
	s5 =	rddreg [dreg:$0x0]  }
0x2: {  	s1 =	stileid.u32;
	s6 =	simm.s32 $0x1;
	s9 =	simm.s32 $0x1  }
0x3: {  	s10 =	simm.s32 $0x3;
	s13 =	simm.s32 $0x0;
	s2 =	sshll.u32 s0, $0x6  }
0x4: {  	s12 =	simm.s32 $0x0;
	s3 =	sshll.u32 s1, $0x7;
	s2 =	sand.u32 $0x40, s2  }
0x5: {  	s0 =	rddreg [dreg:$0x1];
	_ =	strace $0x8000004A;
	s2 =	sor.u32 s3, s2  }
0x6: {  	s4 =	sadd.s32 $0x40000, s5;
	[sflag:s6] =	ssyncpa.u1 $0x0;
	s8 =	ssub.s32 $0x1000, s2  }
.Ltmp0:
0x7: {  	s3 =	sadd.s32 $0x100000, s5;
	s7 =	sand.u32 $0x7C0, s8;
	(pc) =	sbr.rel .LBB2_1-.Ltmp0, $4  }
0x8: {  	s5 =	sadd.s32 $0x40400, s5;
	s11 =	smov.u32 s2;
	p0 =	sne.s32 s7, $0x0  }
0x9: {  	s8 =	sshrl.u32 s8, $0xB;
	s7 =	simm.s32 $0x2;
	s9 =	simm.s32 @!p0 $0x0  }
0xa: {  	[sflag:s7] =	ssyncpa.u1 $0x0;
	p0 =	por $0x0, $0x0;
	s8 =	sadd.s32 s9, s8  }
0xb: {  	vm0 =	vmmov $0xffff;
	[sflag:s10] =	ssyncpa.u1 $0x0;
	s10 =	simm.s32 $0x0;
	s9 =	sadd.s32 $0x1, s8  }
.LBB2_4:
0xc: {  	v5 =	vshrl.u32 v1, $0xC;
	v6 =	vshll.u32 v1, $0x7  }
0xd: {  	vm1 =	veq.s32 v1, $0x80000000;
	v58 =	vand.u32 $0x1F, v5;
	v59 =	vand.u32 $0x7FF80, v6  }
0xe: {  	v1 =	vsel vm1, $0xFFFFFFFF, v58;
	v5 =	vsel vm1, $0xFFFFFF80, v59  }
0xf: {  	v3 =	vor.u32 v4, v3;
	v60 =	vand.u32 $0xFFFFFC00, v5;
	v61 =	vand.u32 $0xFFFFFC00, v1  }
0x10: {  	v2 =	vor.u32 v2, v3;
	v63 =	vand.u32 $0x380, v5;
	v62 =	vadd.s32 v61, v60  }
0x11: {  	v1 =	vand.u32 $0x7F, v1;
	v3 =	vor.u32 v63, v62  }
0x12: {  	v1 =	vor.u32 v1, v3  }
0x13: {  	[tilespmem:s15], [sflag:$0x1] =	stream.indirect_vreg.gather [hbm4b:s3+s10], $0x1, v0, vm0, $0x4038;
	[tilespmem:$0x100] =	vst v63  }
0x14: {  	(ifvalue) =	ssetifvalue $0x7FFFFFFF  }
0x15: {  	[tilespmem:s16], [sflag:$0x1] =	stream.indirect_vreg.gather [hbm4b:s3+s10], $0x1, v2, vm0, $0x4038;
	[tilespmem:$0x100] =	vst v63  }
0x16: {  	s29 =	sadd.s32 $0x10, s16;
	(ifvalue) =	ssetifvalue $0x7FFFFFFF  }
0x17: {  	[tilespmem:s29], [sflag:$0x1] =	stream.indirect_vreg.gather [hbm4b:s3+s10], $0x1, v1, vm0, $0x4038;
	[tilespmem:$0x100] =	vst v63  }
0x18: {  	_ =	swait.ge [sflag:s6], $0x40  }
0x19: {  	s30 =	sshrl.u32 s13, $0x3;
	[sflag:s6] =	ssyncset.done $0x0  }
0x1a: {  	s31 =	sand.u32 $0x7, s13;
	s15 =	sadd.s32 s5, s30;
	[sflag:s6] =	ssyncadd.s32 $0xFFFFFFC0  }
0x1b: {  	[hbm4b:s15+s31] =	stream.linear.scatter [tilespmem:s14], [sflag:$0x3], $0x40, $0x38;
	[tilespmem:$0x100] =	vst v63  }
.LBB2_5:
0x1c: {  	s15 =	sadd.s32 $0x800, s11  }
0x1d: {  	p2 =	sgt.s32 s15, $0xFFF  }
0x1e: {  	s15 =	smov.u32 @p2 s2;
	p2 =	sne.s32 s12, s9  }
.Ltmp1:
0x1f: {  	p1 =	slt.u32 s12, $0x2;
	(pc) =	sbr.rel @!p2 .LBB2_6-.Ltmp1, $4  }
0x20: {  	s14 =	simm.s32 @!p1 $0x3  }
0x21: {  	s16 =	sadd.s32 $0x1, s12;
	_ =	swait.ge @!p1 [sflag:s14], $0x40  }
0x22: {  	s13 =	smov.u32 s11;
	p0 =	por !p0, !p0;
	[sflag:s14] =	ssyncset.done @!p1 $0x0  }
0x23: {  	s12 =	smov.u32 s16;
	s11 =	smov.u32 s15;
	[sflag:s14] =	ssyncadd.s32 @!p1 $0xFFFFFFC0  }
.LBB2_1:
0x24: {  	p1 =	sge.u32 s12, s8  }
0x25: {  	s14 =	sxor.u32 @!p1 $0xFFFFFFFF, s12  }
0x26: {  	s31 =	sadd.s32 $0xFFFFFFFF, s12;
	s15 =	sshrl.u32 @!p1 s11, $0x3;
	s14 =	sshll.u32 @!p1 s14, $0x6  }
0x27: {  	s16 =	sand.u32 @!p1 $0x7, s11;
	s15 =	sadd.s32 @!p1 s4, s15;
	s14 =	sand.u32 @!p1 $0x40, s14  }
0x28: {  	[tilespmem:s14], [sflag:$0x2] =	stream.linear.gather @!p1 [hbm4b:s15+s16], $0x40, $0x38;
	[tilespmem:$0x100] =	vst v63  }
0x29: {  	p1 =	sge.u32 s31, s8  }
.Ltmp2:
0x2a: {  	_ = 	snop;
	(pc) =	sbr.rel @p1 .LBB2_5-.Ltmp2, $1  }
0x2b: {  	_ =	sdelay $0x3  }
0x2c: {  	s14 =	simm.s32 $0x1  }
0x2d: {  	_ =	swait.ge [sflag:s7], $0x40;
	s14 =	simm.s32 @!p0 $0x0  }
0x2e: {  	[sflag:s7] =	ssyncset.done $0x0;
	s14 =	sshll.u32 s14, $0x6  }
0x2f: {  	[sflag:s7] =	ssyncadd.s32 $0xFFFFFFC0;
	(ifvalue) =	ssetifvalue $0x7FFFFFFF;
	v0 =	vld.msk [tilespmem:s14+$0x0 ss:$0x1], $0xffff;
	_ =	sdelay $0x4  }
0x30: {  	s15 =	sadd.s32 $0x10, s14;
	v2 =	vshrl.u32 v0, $0xC;
	v3 =	vshll.u32 v0, $0x7  }
0x31: {  	v1 =	vld.msk [tilespmem:s15+$0x0 ss:$0x1], $0xffff;
	vm1 =	veq.s32 v0, $0x80000000;
	v0 =	vand.u32 $0x1F, v2;
	v2 =	vand.u32 $0x7FF80, v3  }
0x32: {  	v0 =	vsel vm1, $0xFFFFFFFF, v0;
	v2 =	vsel vm1, $0xFFFFFF80, v2  }
0x33: {  	v3 =	vand.u32 $0xFFFFFC00, v2;
	v4 =	vand.u32 $0xFFFFFC00, v0  }
0x34: {  	v2 =	vand.u32 $0x380, v2;
	v3 =	vadd.s32 v4, v3  }
0x35: {  	v0 =	vand.u32 $0x7F, v0;
	v2 =	vor.u32 v2, v3  }
0x36: {  	v5 =	vshll.u32 v1, $0x7;
	v4 =	vshrl.u32 v1, $0xC;
	v0 =	vor.u32 v0, v2  }
0x37: {  	s16 =	sshll.u32 s12, $0x6;
	vm1 =	veq.s32 v1, $0x80000000;
	v1 =	vand.u32 $0x1F, v4;
	v4 =	vand.u32 $0x7FF80, v5  }
0x38: {  	s16 =	sand.u32 $0x40, s16;
	s18 =	sadd.s32 $0x10, s15;
	v3 =	vsel vm1, $0xFFFFFFFF, v1;
	v4 =	vsel vm1, $0xFFFFFF80, v4  }
0x39: {  	s17 =	simm.s32 $0x20;
	s15 =	sor.u32 $0x80, s14;
	s14 =	sor.u32 $0x80, s16;
	v1 =	vld.msk [tilespmem:s18+$0x0 ss:$0x1], $0xffff;
	v5 =	vand.u32 $0xFFFFFC00, v4;
	v6 =	vand.u32 $0xFFFFFC00, v3  }
0x3a: {  	s16 =	sadd.s32 $0x10, s15;
	s18 =	sadd.s32 $0x10, s18;
	(ifvalue) =	ssetifvalue $0x7FFFFFFF;
	v2 =	vand.u32 $0x7F, v3;
	v4 =	vand.u32 $0x380, v4;
	v3 =	vadd.s32 v6, v5  }
.LBB2_3:
0x3b: {  	[tilespmem:s15], [sflag:$0x1] =	stream.indirect_vreg.gather [hbm4b:s3+s10], $0x1, v0, vm0, $0x4038;
	[tilespmem:$0x100] =	vst v63  }
0x3c: {  	s17 =	sadd.s32 $0x10, s17  }
0x3d: {  	v3 =	vor.u32 v4, v3;
	p1 =	slt.u32 s17, $0x30  }
.Ltmp3:
0x3e: {  	v4 =	vshrl.u32 v1, $0xC;
	v5 =	vshll.u32 v1, $0x7;
	s15 =	smov.u32 s16;
	v0 =	vor.u32 v2, v3;
	v2 =	vmovc v1;
	v1 =	vld.msk [tilespmem:s18+$0x0 ss:$0x1], $0xffff;
	(pc) =	sbr.rel @p1 .LBB2_3-.Ltmp3, $4  }
0x3f: {  	v3 =	vand.u32 $0x7FF80, v5;
	vm1 =	veq.s32 v2, $0x80000000;
	v2 =	vand.u32 $0x1F, v4  }
0x40: {  	v4 =	vsel vm1, $0xFFFFFFFF, v2;
	v5 =	vsel vm1, $0xFFFFFF80, v3  }
0x41: {  	v2 =	vand.u32 $0x7F, v4;
	v3 =	vand.u32 $0xFFFFFC00, v5;
	v4 =	vand.u32 $0xFFFFFC00, v4  }
0x42: {  	s16 =	sadd.s32 $0x10, s16;
	s18 =	sadd.s32 $0x10, s18;
	v3 =	vadd.s32 v4, v3;
	v4 =	vand.u32 $0x380, v5;
	(ifvalue) =	ssetifvalue $0x7FFFFFFF  }
.Ltmp4:
0x43: {  	_ = 	snop;
	(pc) =	sbr.rel .LBB2_4-.Ltmp4, $1  }
0x44: {  	_ =	sdelay $0x3  }
.LBB2_6:
0x45: {  	_ =	sfence.sel $0x180000  }
0x46: {  	s2 =	simm.s32 $0x2;
	[bflag:$0x0] =	sbarrier.arrive $0xFFFF  }
0x47: {  	s30 =	simm.s32 $0x3;
	[sflag:s2] =	ssyncpa.u1 $0x1  }
0x48: {  	s31 =	simm.s32 $0x1;
	[sflag:s30] =	ssyncpa.u1 $0x1  }
0x49: {  	[sflag:s31] =	ssyncpa.u1 $0x1  }
0x4a: {  	p0 =	sne.s32 s1, $0x0;
	_ =	strace $0x9000004A  }
0x4b: {  	s0 =	sadd.s32 @!p0 $0x100000, s0;
	[bflag:$0x2] =	sbarrier.arrive $0xFFFF  }
0x4c: {  	[sflag:s0] =	ssyncadd.tile.s32 @!p0 $0x1;
	_ =	shalt  }
.Lfunc_end2:
_tile_overlayer_lowered:
.L_overlay_start_2:
0x4d: {  	(tag) =	ssettag $0x2  }
0x4e: {  	s0 =	rddreg [dreg:$0x0];
	s2 =	stileid.u32  }
0x4f: {  	s1 =	rddreg [dreg:$0x1];
	p0 =	sne.s32 s2, $0x0  }
0x50: {  	s3 =	rddreg [dreg:$0x2];
	[bflag:$0x3] =	sbarrier.arrive $0xFFFF;
	s2 =	simm.s32 @!p0 $0x1C01  }
0x51: {  	[timem:s3], [sflag:s2] =	dma.local @!p0 [hbm:s0], s1  }
0x52: {  	s0 =	simm.s32 @!p0 $0x1  }
0x53: {  	_ =	swait.ge @!p0 [sflag:s0], s1  }
0x54: {  	s1 =	ssub.s32 @!p0 $0x0, s1;
	[sflag:s0] =	ssyncset.done @!p0 $0x0  }
0x55: {  	[sflag:s0] =	ssyncadd.s32 @!p0 s1  }
0x56: {  	[bflag:$0x3] =	sbarrier.arrive $0xFFFF  }
0x57: {  	_ =	shalt  }

// kernel: kernel.9.cloned.1.call-start
scs
__scs_entry_jumppad:
0x0: {  	(pc) =	sbr.rel $0x88, $3  }
0x1: {  	(tag) =	ssettag $0x0;
	lr =	simm.s32 $0x1  }
0x2: {  	[smem:$0x3F8E] =	sst lr;
	_ =	strace $0xD0000000  }
0x3: {  	_ = 	snop  }
0x4: {  	_ = 	snop  }
0x5: {  	_ = 	snop  }
0x6: {  	_ = 	snop  }
0x7: {  	_ = 	snop  }
__scs_overlays_trampoline_lowered:
0x8: {  	[smem:$0x3F9D] =	sst s0  }
0x9: {  	[smem:$0x3F9E] =	sst s1  }
0xa: {  	[smem:$0x3F9F] =	sst s2  }
0xb: {  	[smem:$0x3FA0] =	sst s3  }
0xc: {  	[smem:$0x3FA1] =	sst s4  }
0xd: {  	[smem:$0x3FA2] =	sst s5  }
0xe: {  	[smem:$0x3FA3] =	sst s6  }
0xf: {  	[smem:$0x3FA4] =	sst s7  }
0x10: {  	[smem:$0x3FA5] =	sst s8  }
0x11: {  	[smem:$0x3FA6] =	sst s9;
	s0 =	simm.s32 @!p0 $0x0  }
0x12: {  	s1 =	sld [smem:$0x3F8C];
	s0 =	simm.s32 @p0 $0x1  }
0x13: {  	[smem:$0x3FA7] =	sst s0;
	s0 =	simm.s32 @!p1 $0x0  }
0x14: {  	s2 =	sld [smem:$0x3F8B];
	s0 =	simm.s32 @p1 $0x1  }
0x15: {  	[smem:$0x3FA8] =	sst s0;
	s0 =	simm.s32 @!p2 $0x0  }
0x16: {  	s3 =	sld [smem:$0x3FDB];
	s0 =	simm.s32 @p2 $0x1  }
0x17: {  	s4 =	simm.s32 $0x1BF5;
	[smem:$0x3FAA] =	sst s0  }
0x18: {  	s0 =	sld [smem:$0x3F8D];
	_ =	swait.ge [sflag:s4], $0x0  }
0x19: {  	s7 =	sld [smem:$0x3F8E]  }
0x1a: {  	s8 =	sadd.s32 $0xFFFFE003, lr  }
0x1b: {  	s9 =	sadd.s32 $0xFFFFFEF7, lr;
	s5 =	simm.s32 $0xFFFFFFFF;
	p2 =	slt.u32 s8, $0xFFFFF086  }
0x1c: {  	p1 =	slt.u32 s9, $0xF7A;
	s5 =	simm.s32 @!p2 $0x0  }
0x1d: {  	s5 =	simm.s32 @p1 $0x1;
	p0 =	seq.s32 s7, s2  }
0x1e: {  	s7 =	smul.u32 @!p0 $0xF7A, s2;
	p2 =	seq.s32 @!p0 s5, $0x0  }
0x1f: {  	s9 =	smul.u32 $0xF7A, s1;
	s8 =	simm.s32 @!p0 $0x1BF5;
	p2 =	por !p2, p0  }
0x20: {  	[sflag:s8] =	ssyncset.s32 @!p0 $0xFFFFF086;
	s6 =	sadd.s32 @!p0 s3, s7;
	s7 =	simm.s32 @!p0 $0x108  }
0x21: {  	s3 =	sadd.s32 s3, s9;
	s6 =	sadd.s32 @!p0 $0x88, s6;
	s7 =	simm.s32 @p2 $0x1082  }
0x22: {  	[simem:s7], [sflag:s8] =	dma.local @!p0 [hbm:s6], $0xF7A  }
0x23: {  	s9 =	sor.u32 $0xD0000000, s2;
	s6 =	simm.s32 $0x108;
	_ =	swait.ge @!p0 [sflag:s8], $0x0  }
0x24: {  	s3 =	sadd.s32 $0x88, s3;
	s6 =	simm.s32 @!p1 $0x1082;
	[sflag:s4] =	ssyncset.s32 $0xFFFFF086  }
0x25: {  	[simem:s6], [sflag:s4] =	dma.local [hbm:s3], $0xF7A  }
0x26: {  	[smem:$0x3F8E] =	sst s1;
	(tag) =	ssettag s2;
	_ =	strace s9  }
0x27: {  	s1 =	sld [smem:$0x3F9E]  }
0x28: {  	s2 =	sld [smem:$0x3F9F]  }
0x29: {  	s4 =	sld [smem:$0x3FA1]  }
0x2a: {  	p0 =	seq.s32 s5, $0x0;
	s5 =	sld [smem:$0x3FA2]  }
0x2b: {  	s6 =	sld [smem:$0x3FA3]  }
0x2c: {  	s7 =	sld [smem:$0x3FA4]  }
0x2d: {  	s3 =	simm.s32 $0x108;
	s8 =	sld [smem:$0x3FA5]  }
0x2e: {  	s3 =	simm.s32 @!p0 $0x1082;
	s9 =	sld [smem:$0x3FA6]  }
0x2f: {  	lr =	sadd.s32 s0, s3;
	s0 =	sld [smem:$0x3F9D]  }
0x30: {  	s3 =	sld [smem:$0x3FA0]  }
0x31: {  	[smem:$0x3FA9] =	sst s10  }
0x32: {  	s10 =	sld [smem:$0x3FA7];
	_ =	sdelay $0x3  }
0x33: {  	p0 =	seq.s32 s10, $0x1;
	s10 =	sld [smem:$0x3FA9];
	_ =	sdelay $0x3  }
0x34: {  	[smem:$0x3FA9] =	sst s10  }
0x35: {  	s10 =	sld [smem:$0x3FA8];
	_ =	sdelay $0x3  }
0x36: {  	p1 =	seq.s32 s10, $0x1;
	s10 =	sld [smem:$0x3FA9];
	_ =	sdelay $0x3  }
0x37: {  	[smem:$0x3FA9] =	sst s10  }
0x38: {  	s10 =	sld [smem:$0x3FAA]  }
0x39: {  	_ = 	snop;
	(pc) =	sbr.ind lr, $3  }
0x3a: {  	_ = 	snop  }
0x3b: {  	_ = 	snop  }
0x3c: {  	p2 =	seq.s32 s10, $0x1;
	s10 =	sld [smem:$0x3FA9]  }
0x3d: {  	_ =	shalt  }
0x3e: {  	_ =	shalt  }
0x3f: {  	_ =	shalt  }
0x40: {  	_ =	shalt  }
0x41: {  	_ =	shalt  }
0x42: {  	_ =	shalt  }
0x43: {  	_ =	shalt  }
0x44: {  	_ =	shalt  }
0x45: {  	_ =	shalt  }
0x46: {  	_ =	shalt  }
0x47: {  	_ =	shalt  }
0x48: {  	_ =	shalt  }
0x49: {  	_ =	shalt  }
0x4a: {  	_ =	shalt  }
0x4b: {  	_ =	shalt  }
0x4c: {  	_ =	shalt  }
0x4d: {  	_ =	shalt  }
0x4e: {  	_ =	shalt  }
0x4f: {  	_ =	shalt  }
0x50: {  	_ =	shalt  }
0x51: {  	_ =	shalt  }
0x52: {  	_ =	shalt  }
0x53: {  	_ =	shalt  }
0x54: {  	_ =	shalt  }
0x55: {  	_ =	shalt  }
0x56: {  	_ =	shalt  }
0x57: {  	_ =	shalt  }
0x58: {  	_ =	shalt  }
0x59: {  	_ =	shalt  }
0x5a: {  	_ =	shalt  }
0x5b: {  	_ =	shalt  }
0x5c: {  	_ =	shalt  }
0x5d: {  	_ =	shalt  }
0x5e: {  	_ =	shalt  }
0x5f: {  	_ =	shalt  }
0x60: {  	_ =	shalt  }
0x61: {  	_ =	shalt  }
0x62: {  	_ =	shalt  }
0x63: {  	_ =	shalt  }
0x64: {  	_ =	shalt  }
0x65: {  	_ =	shalt  }
0x66: {  	_ =	shalt  }
0x67: {  	_ =	shalt  }
0x68: {  	_ =	shalt  }
0x69: {  	_ =	shalt  }
0x6a: {  	_ =	shalt  }
0x6b: {  	_ =	shalt  }
0x6c: {  	_ =	shalt  }
0x6d: {  	_ =	shalt  }
0x6e: {  	_ =	shalt  }
0x6f: {  	_ =	shalt  }
0x70: {  	_ =	shalt  }
0x71: {  	_ =	shalt  }
0x72: {  	_ =	shalt  }
0x73: {  	_ =	shalt  }
0x74: {  	_ =	shalt  }
0x75: {  	_ =	shalt  }
0x76: {  	_ =	shalt  }
0x77: {  	_ =	shalt  }
0x78: {  	_ =	shalt  }
0x79: {  	_ =	shalt  }
0x7a: {  	_ =	shalt  }
0x7b: {  	_ =	shalt  }
0x7c: {  	_ =	shalt  }
0x7d: {  	_ =	shalt  }
0x7e: {  	_ =	shalt  }
0x7f: {  	_ =	shalt  }
0x80: {  	_ =	shalt  }
0x81: {  	_ =	shalt  }
0x82: {  	_ =	shalt  }
0x83: {  	_ =	shalt  }
0x84: {  	_ =	shalt  }
0x85: {  	_ =	shalt  }
0x86: {  	_ =	shalt  }
0x87: {  	_ =	shalt  }
.Lfunc_end0:
.L_simem_size_0:
called_computation.4_lowered:
.L_overlay_start_0:
0x88: {  	s2 =	sld [smem:$0x3FD9]  }
0x89: {  	s3 =	sld [smem:$0x3FFE];
	_ =	sdelay $0x1  }
0x8a: {  	s1 =	srdreg.scid  }
0x8b: {  	s0 =	sand.u32 $0x1, s1  }
0x8c: {  	s14 =	sshll.u32 s0, $0xA;
	s2 =	sadd.s32 s3, s2  }
0x8d: {  	s2 =	sadd.s32 s2, s14  }
0x8e: {  	[smem:$0x3FB5] =	sst s2  }
0x8f: {  	_ = 	snop  }
0x90: {  	s2 =	sld [smem:$0x3FD0];
	_ =	sdelay $0x2  }
0x91: {  	s4 =	simm.s32 $0xB;
	s5 =	simm.s32 $0x10;
	s15 =	sld [smem:$0x3FC8]  }
0x92: {  	[smem:s5], [sflag:s4] =	dma.local [hbm:s2], $0x1  }
0x93: {  	_ =	swait.eq [sflag:s4], $0x1  }
0x94: {  	[sflag:s4] =	ssyncset.done $0x0  }
0x95: {  	[sflag:s4] =	ssyncadd.s32 $0xFFFFFFFF  }
0x96: {  	s16 =	sld [smem:$0x11];
	(tm) =	ssettm $0x1  }
0x97: {  	s17 =	sld [smem:$0x3FFB];
	_ =	sdelay $0x3  }
0x98: {  	_ =	strace s17  }
0x99: {  	s4 =	sld [smem:$0x3FFC];
	_ =	sdelay $0x3  }
0x9a: {  	_ =	strace s4  }
0x9b: {  	s4 =	sld [smem:$0x3FFD];
	_ =	sdelay $0x3  }
0x9c: {  	_ =	strace s4  }
0x9d: {  	_ =	strace $0x8FFFFFFF  }
0x9e: {  	s18 =	sld [smem:$0x3FDB];
	_ =	sdelay $0x1  }
0x9f: {  	s19 =	simm.s32 $_scs_section_size  }
0xa0: {  	s6 =	simm.s32 $_size__tile_overlayer_lowered;
	s7 =	simm.s32 $_tile_overlayer_lowered  }
0xa1: {  	s22 =	simm.s32 $0x1BFF;
	s21 =	sshll.u32 s7, $0x1;
	s4 =	sadd.s32 s19, s18  }
0xa2: {  	s8 =	simm.s32 $0x0;
	s20 =	sshll.u32 s6, $0x1;
	s6 =	sadd.s32 s21, s4  }
0xa3: {  	[timem:s8], [sflag:s22] =	dma.local [hbm:s6], s20  }
0xa4: {  	_ =	swait.ge [sflag:s22], s20  }
0xa5: {  	s5 =	ssub.s32 $0x0, s20;
	[sflag:s22] =	ssyncset.done $0x0  }
0xa6: {  	[sflag:s22] =	ssyncadd.s32 s5;
	_ =	sdelay $0x1  }
0xa7: {  	s23 =	simm.s32 $0x1B8B  }
0xa8: {  	_ =	swait.ge [sflag:s23], $0x1  }
0xa9: {  	[sflag:s23] =	ssyncset.done $0x0  }
0xaa: {  	s25 =	simm.s32 $0x1B8E;
	s24 =	sld [smem:$0x3FFE];
	[sflag:s23] =	ssyncadd.s32 $0xFFFFFFFF  }
0xab: {  	s26 =	simm.s32 $execute0_lowered;
	[smem:$0x3FD2] =	sst s25  }
0xac: {  	s6 =	sshll.u32 s26, $0x1;
	_ =	strace $0x80000046;
	[dreg:$0x1] =	wrdreg $0xFFFFFFFF  }
0xad: {  	s28 =	simm.s32 $_size_execute0_lowered;
	s4 =	sadd.s32 s4, s6;
	[dreg:$0x0] =	wrdreg $0x0  }
0xae: {  	s6 =	sshll.u32 s28, $0x1;
	[dreg:$0x2] =	wrdreg s4  }
0xaf: {  	[dreg:$0x3] =	wrdreg s6  }
0xb0: {  	[dreg:$0x4] =	wrdreg $0xC0  }
0xb1: {  	_ =	task [dreg:s8], $0x5FFFF  }
0xb2: {  	[dreg:$0x1] =	wrdreg $0xFFFFFFFF  }
0xb3: {  	[dreg:$0x0] =	wrdreg $0x60  }
0xb4: {  	[dreg:$0x2] =	wrdreg s16  }
0xb5: {  	[dreg:$0x3] =	wrdreg s15  }
0xb6: {  	[dreg:$0x4] =	wrdreg s24  }
0xb7: {  	[dreg:$0x5] =	wrdreg $0x9  }
0xb8: {  	_ =	task.clear_ibuf [dreg:s8], $0x6FFFF;
	_ =	strace $0x90000046  }
0xb9: {  	s29 =	simm.s32 $0x9;
	_ =	strace $0x80000048  }
0xba: {  	_ =	swait.ge [sflag:s29], $0x1  }
0xbb: {  	[sflag:s29] =	ssyncadd.s32 $0xFFFFFFFF  }
0xbc: {  	_ =	strace $0x90000048  }
0xbd: {  	_ =	sfence  }
0xbe: {  	s30 =	sld [smem:$0x0];
	_ =	sdelay $0x2  }
0xbf: {  	s31 =	sshll.u32 s1, $0xD;
	s1 =	sshrl.u32 s1, $0x2  }
0xc0: {  	s3 =	sand.u32 $0x4000, s31;
	s1 =	sadd.s32 s1, s30  }
0xc1: {  	s0 =	sor.u32 s3, s0;
	s1 =	sshll.u32 s1, $0x11  }
0xc2: {  	s0 =	sor.u32 s1, s0  }
0xc3: {  	s0 =	sadd.s32 $0x8F2B, s0  }
0xc4: {  	[sflag:s0] =	ssyncadd.remote.s32 $0x1  }
0xc5: {  	_ =	sfence.sel $0xFFFF  }
0xc6: {  	[dreg:$0x0] =	wrdreg $0xFFFFFFFF;
	(pc) =	sbr.abs _section_cstart, $3  }
0xc7: {  	[dreg:$0x1] =	wrdreg $0xFFFFFFFF  }
0xc8: {  	_ =	task.clear_ibuf [dreg:s8], $0x2FFFF;
	_ =	strace $0x9FFFFFFF  }
0xc9: {  	(tm) =	ssettm $0x7FFFFFFF  }
tec
execute0_lowered:
.L_overlay_start_1:
0x0: {  	(tag) =	ssettag $0x1  }
0x1: {  	s1 =	rddreg [dreg:$0x0];
	s2 =	srdreg.scid  }
0x2: {  	s4 =	rddreg [dreg:$0x1];
	s0 =	stileid.u32;
	s13 =	sand.u32 $0x1, s2  }
0x3: {  	s9 =	rddreg [dreg:$0x2];
	s5 =	sshll.u32 s0, $0xD;
	s6 =	sshll.u32 s13, $0xC  }
0x4: {  	s3 =	simm.s32 $0x0;
	s2 =	rddreg [dreg:$0x3];
	s10 =	sor.u32 s6, s5  }
0x5: {  	[smem:$0x7FF] =	sst s3;
	s5 =	sshrl.u32 s10, $0x3  }
0x6: {  	_ =	strace $0x80000047;
	s5 =	sadd.s32 s4, s5;
	s4 =	simm.s32 $0x2  }
0x7: {  	[tilespmem:s3], [sflag:$0x2] =	stream.linear.gather [hbm4b:s5+s3], $0x1000, $0x38;
	[tilespmem:$0x11000] =	vst v63  }
0x8: {  	_ =	swait.ge [sflag:s4], $0x1000  }
0x9: {  	s7 =	simm.s32 $0x1000;
	[sflag:s4] =	ssyncset.done $0x0  }
0xa: {  	s8 =	simm.s32 $0x1;
	s6 =	simm.s32 $0x400;
	[sflag:s4] =	ssyncadd.s32 $0xFFFFF000  }
0xb: {  	[tilespmem:s7], [sflag:$0x1] =	stream.indirect.gather [hbm4b:s1+s6], $0x40, s3, s6, $0xb8;
	[tilespmem:$0x11000] =	vst v63  }
0xc: {  	_ =	swait.ge [sflag:s8], $0x10000  }
0xd: {  	s10 =	sshll.u32 s10, $0x3;
	[sflag:s8] =	ssyncset.done $0x0  }
0xe: {  	s9 =	sadd.s32 s9, s10;
	[sflag:s8] =	ssyncadd.s32 $0xFFFF0000  }
0xf: {  	[hbm4b:s9+s3] =	stream.linear.scatter [tilespmem:s7], [sflag:$0x2], $0x10000, $0x38;
	[tilespmem:$0x11000] =	vst v63  }
0x10: {  	_ =	swait.ge [sflag:s4], $0x10000  }
0x11: {  	[sflag:s4] =	ssyncset.done $0x0  }
0x12: {  	[sflag:s4] =	ssyncadd.s32 $0xFFFF0000  }
0x13: {  	[tilespmem:s7], [sflag:$0x1] =	stream.indirect.gather [hbm4b:s1+s6], $0x40, s6, s6, $0xb8;
	[tilespmem:$0x11000] =	vst v63  }
0x14: {  	_ =	swait.ge [sflag:s8], $0x10000  }
0x15: {  	[sflag:s8] =	ssyncset.done $0x0  }
0x16: {  	s10 =	sadd.s32 $0x2000, s9;
	[sflag:s8] =	ssyncadd.s32 $0xFFFF0000  }
0x17: {  	[hbm4b:s10+s3] =	stream.linear.scatter [tilespmem:s7], [sflag:$0x2], $0x10000, $0x38;
	[tilespmem:$0x11000] =	vst v63  }
0x18: {  	_ =	swait.ge [sflag:s4], $0x10000  }
0x19: {  	[sflag:s4] =	ssyncset.done $0x0  }
0x1a: {  	s11 =	simm.s32 $0x800;
	[sflag:s4] =	ssyncadd.s32 $0xFFFF0000  }
0x1b: {  	[tilespmem:s7], [sflag:$0x1] =	stream.indirect.gather [hbm4b:s1+s6], $0x40, s11, s6, $0xb8;
	[tilespmem:$0x11000] =	vst v63  }
0x1c: {  	_ =	swait.ge [sflag:s8], $0x10000  }
0x1d: {  	[sflag:s8] =	ssyncset.done $0x0  }
0x1e: {  	s14 =	ssub.s32 $0x2, s13;
	s12 =	sadd.s32 $0x4000, s9;
	[sflag:s8] =	ssyncadd.s32 $0xFFFF0000  }
0x1f: {  	[hbm4b:s12+s3] =	stream.linear.scatter [tilespmem:s7], [sflag:$0x2], $0x10000, $0x38;
	[tilespmem:$0x11000] =	vst v63  }
0x20: {  	s15 =	sshrl.u32 s14, $0x1;
	_ =	swait.ge [sflag:s4], $0x10000  }
0x21: {  	s14 =	ssub.s32 s14, s15;
	[sflag:s4] =	ssyncset.done $0x0  }
0x22: {  	s13 =	simm.s32 $0xC00;
	s15 =	smax.u32 s14, $0x1;
	[sflag:s4] =	ssyncadd.s32 $0xFFFF0000  }
0x23: {  	[tilespmem:s7], [sflag:$0x1] =	stream.indirect.gather [hbm4b:s1+s6], $0x40, s13, s6, $0xb8;
	[tilespmem:$0x11000] =	vst v63  }
0x24: {  	p0 =	sne.s32 s15, $0x1;
	_ =	swait.ge [sflag:s8], $0x10000  }
.Ltmp0:
0x25: {  	[sflag:s8] =	ssyncset.done $0x0;
	(pc) =	sbr.rel @!p0 .LBB2_2-.Ltmp0, $4  }
0x26: {  	s14 =	sadd.s32 $0x6000, s9;
	[sflag:s8] =	ssyncadd.s32 $0xFFFF0000  }
0x27: {  	[hbm4b:s14+s3] =	stream.linear.scatter [tilespmem:s7], [sflag:$0x2], $0x10000, $0x38;
	[tilespmem:$0x11000] =	vst v63  }
0x28: {  	_ =	swait.ge [sflag:s4], $0x10000  }
0x29: {  	s15 =	sadd.s32 $0xFFFFFFFF, s15;
	[sflag:s4] =	ssyncset.done $0x0  }
.LBB2_1:
0x2a: {  	p0 =	sne.s32 s15, $0x1;
	s15 =	sadd.s32 $0xFFFFFFFF, s15;
	[sflag:s4] =	ssyncadd.s32 $0xFFFF0000  }
0x2b: {  	[tilespmem:s3], [sflag:$0x2] =	stream.linear.gather [hbm4b:s5+s3], $0x1000, $0x38;
	[tilespmem:$0x11000] =	vst v63  }
0x2c: {  	_ =	swait.ge [sflag:s4], $0x1000  }
0x2d: {  	[sflag:s4] =	ssyncset.done $0x0  }
0x2e: {  	[sflag:s4] =	ssyncadd.s32 $0xFFFFF000  }
0x2f: {  	[tilespmem:s7], [sflag:$0x1] =	stream.indirect.gather [hbm4b:s1+s6], $0x40, s3, s6, $0xb8;
	[tilespmem:$0x11000] =	vst v63  }
0x30: {  	_ =	swait.ge [sflag:s8], $0x10000  }
0x31: {  	[sflag:s8] =	ssyncset.done $0x0  }
0x32: {  	[sflag:s8] =	ssyncadd.s32 $0xFFFF0000  }
0x33: {  	[hbm4b:s9+s3] =	stream.linear.scatter [tilespmem:s7], [sflag:$0x2], $0x10000, $0x38;
	[tilespmem:$0x11000] =	vst v63  }
0x34: {  	_ =	swait.ge [sflag:s4], $0x10000  }
0x35: {  	[sflag:s4] =	ssyncset.done $0x0  }
0x36: {  	[sflag:s4] =	ssyncadd.s32 $0xFFFF0000  }
0x37: {  	[tilespmem:s7], [sflag:$0x1] =	stream.indirect.gather [hbm4b:s1+s6], $0x40, s6, s6, $0xb8;
	[tilespmem:$0x11000] =	vst v63  }
0x38: {  	_ =	swait.ge [sflag:s8], $0x10000  }
0x39: {  	[sflag:s8] =	ssyncset.done $0x0  }
0x3a: {  	[sflag:s8] =	ssyncadd.s32 $0xFFFF0000  }
0x3b: {  	[hbm4b:s10+s3] =	stream.linear.scatter [tilespmem:s7], [sflag:$0x2], $0x10000, $0x38;
	[tilespmem:$0x11000] =	vst v63  }
0x3c: {  	_ =	swait.ge [sflag:s4], $0x10000  }
0x3d: {  	[sflag:s4] =	ssyncset.done $0x0  }
0x3e: {  	[sflag:s4] =	ssyncadd.s32 $0xFFFF0000  }
0x3f: {  	[tilespmem:s7], [sflag:$0x1] =	stream.indirect.gather [hbm4b:s1+s6], $0x40, s11, s6, $0xb8;
	[tilespmem:$0x11000] =	vst v63  }
0x40: {  	_ =	swait.ge [sflag:s8], $0x10000  }
0x41: {  	[sflag:s8] =	ssyncset.done $0x0  }
0x42: {  	[sflag:s8] =	ssyncadd.s32 $0xFFFF0000  }
0x43: {  	[hbm4b:s12+s3] =	stream.linear.scatter [tilespmem:s7], [sflag:$0x2], $0x10000, $0x38;
	[tilespmem:$0x11000] =	vst v63  }
0x44: {  	_ =	swait.ge [sflag:s4], $0x10000  }
0x45: {  	[sflag:s4] =	ssyncset.done $0x0  }
0x46: {  	[sflag:s4] =	ssyncadd.s32 $0xFFFF0000  }
0x47: {  	[tilespmem:s7], [sflag:$0x1] =	stream.indirect.gather [hbm4b:s1+s6], $0x40, s13, s6, $0xb8;
	[tilespmem:$0x11000] =	vst v63  }
0x48: {  	_ =	swait.ge [sflag:s8], $0x10000  }
.Ltmp1:
0x49: {  	[sflag:s8] =	ssyncset.done $0x0;
	(pc) =	sbr.rel @p0 .LBB2_1-.Ltmp1, $4  }
0x4a: {  	[sflag:s8] =	ssyncadd.s32 $0xFFFF0000  }
0x4b: {  	[hbm4b:s14+s3] =	stream.linear.scatter [tilespmem:s7], [sflag:$0x2], $0x10000, $0x38;
	[tilespmem:$0x11000] =	vst v63  }
0x4c: {  	_ =	swait.ge [sflag:s4], $0x10000  }
0x4d: {  	[sflag:s4] =	ssyncset.done $0x0  }
.LBB2_2:
0x4e: {  	[sflag:s4] =	ssyncadd.s32 $0xFFFF0000  }
0x4f: {  	_ =	sfence.sel $0x180000  }
0x50: {  	[bflag:$0x0] =	sbarrier.arrive $0xFFFF  }
0x51: {  	p0 =	sne.s32 s0, $0x0;
	_ =	strace $0x90000047  }
0x52: {  	s0 =	sadd.s32 @!p0 $0x100000, s2;
	[bflag:$0x2] =	sbarrier.arrive $0xFFFF  }
0x53: {  	[sflag:s0] =	ssyncadd.tile.s32 @!p0 $0x1;
	_ =	shalt  }
.Lfunc_end2:
_tile_overlayer_lowered:
.L_overlay_start_2:
0x54: {  	(tag) =	ssettag $0x2  }
0x55: {  	s0 =	rddreg [dreg:$0x0];
	s2 =	stileid.u32  }
0x56: {  	s1 =	rddreg [dreg:$0x1];
	p0 =	sne.s32 s2, $0x0  }
0x57: {  	s3 =	rddreg [dreg:$0x2];
	[bflag:$0x3] =	sbarrier.arrive $0xFFFF;
	s2 =	simm.s32 @!p0 $0x1C02  }
0x58: {  	[timem:s3], [sflag:s2] =	dma.local @!p0 [hbm:s0], s1  }
0x59: {  	s0 =	simm.s32 @!p0 $0x2  }
0x5a: {  	_ =	swait.ge @!p0 [sflag:s0], s1  }
0x5b: {  	s1 =	ssub.s32 @!p0 $0x0, s1;
	[sflag:s0] =	ssyncset.done @!p0 $0x0  }
0x5c: {  	[sflag:s0] =	ssyncadd.s32 @!p0 s1  }
0x5d: {  	[bflag:$0x3] =	sbarrier.arrive $0xFFFF  }
0x5e: {  	_ =	shalt  }

</sc_bundles>
